<compile_context>
chip_gen: v7x
topology: tpu7x:2x2x1
jax: 0.10.2.dev20260603
libtpu: 0.0.44.dev20260713+nightly
codegen_flags: <defaults>
</compile_context>

<pallas_src>
import functools

import jax
import jax.numpy as jnp
from jax import lax
from jax.experimental import pallas as pl
from jax.experimental.pallas import tpu as pltpu
from jax.experimental.pallas import tpu_sc as plsc

N_NODES = 10000
N_EDGES = 160000
D_IN = 256
D_OUT = 256
D_HALF = D_IN // 2

NC = 2
NS = 16
L = 16
CHUNK = 32
N_CHUNKS = 320
E_PER_TILE = N_CHUNKS * CHUNK
E_PAD = E_PER_TILE * NS
K_RING = 8
N_ROUNDS = N_CHUNKS // K_RING
N_ACC = 10112
ROWS_PER_TILE_Z = N_ACC // NS
ROWS_PER_TILE_O = 624
TAIL_O = N_NODES - ROWS_PER_TILE_O * NS


def _sc_segment_gather_sum(packed, x2):
    mesh = plsc.VectorSubcoreMesh(core_axis_name="c", subcore_axis_name="s")

    @functools.partial(
        pl.kernel,
        mesh=mesh,
        out_type=jax.ShapeDtypeStruct((2 * N_NODES, D_HALF), jnp.float32),
        scratch_types=[
            pltpu.VMEM((N_CHUNKS // 4, 4 * CHUNK), jnp.int32),
        ]
        + [pltpu.VMEM((CHUNK,), jnp.int32)] * (2 * K_RING)
        + [pltpu.VMEM((CHUNK, D_HALF), jnp.float32)] * K_RING
        + [pltpu.VMEM_SHARED((N_ACC, D_HALF), jnp.float32)]
        + [pltpu.SemaphoreType.DMA] * K_RING,
    )
    def k(packed_hbm, x2_hbm, out_hbm,
          pk_v, g0b, d0b, g1b, d1b, g2b, d2b, g3b, d3b, g4b, d4b, g5b, d5b,
          g6b, d6b, g7b, d7b, r0, r1, r2, r3, r4, r5, r6, r7, h_sh,
          s0, s1, s2, s3, s4, s5, s6, s7):
        c = lax.axis_index("c")
        s = lax.axis_index("s")
        gbufs = [g0b, g1b, g2b, g3b, g4b, g5b, g6b, g7b]
        dbufs = [d0b, d1b, d2b, d3b, d4b, d5b, d6b, d7b]
        rows = [r0, r1, r2, r3, r4, r5, r6, r7]
        sems = [s0, s1, s2, s3, s4, s5, s6, s7]

        pltpu.sync_copy(packed_hbm.at[c, s], pk_v)

        def unpack(j4, quarter, b):
            for kk in range(CHUNK // L):
                v = pk_v[j4, pl.ds(quarter * CHUNK + kk * L, L)]
                gbufs[b][pl.ds(kk * L, L)] = v & 0xFFFF
                dbufs[b][pl.ds(kk * L, L)] = lax.shift_right_logical(v, 16)

        def gather(b):
            return pltpu.make_async_copy(x2_hbm.at[gbufs[b]], rows[b], sems[b])

        zv = jnp.zeros((L,), jnp.float32)

        def zero_body(r, carry):
            for kk in range(D_HALF // L):
                r0[r, pl.ds(kk * L, L)] = zv
            return carry

        lax.fori_loop(0, CHUNK, zero_body, 0)
        zbase = s * ROWS_PER_TILE_Z
        for zk in range(ROWS_PER_TILE_Z // CHUNK):
            pltpu.sync_copy(r0, h_sh.at[pl.ds(zbase + zk * CHUNK, CHUNK)])
        ztail = ROWS_PER_TILE_Z % CHUNK
        pltpu.sync_copy(
            r0.at[pl.ds(0, ztail)],
            h_sh.at[pl.ds(zbase + (ROWS_PER_TILE_Z // CHUNK) * CHUNK, ztail)])

        for b in range(K_RING):
            unpack(b // 4, b % 4, b)
            gather(b).start()
        plsc.subcore_barrier()

        def round_body(i, carry):
            for b in range(K_RING):
                gather(b).wait()
                pltpu.sync_copy(rows[b], h_sh.at[dbufs[b]], add=True)
                unpack(2 * i + 2 + b // 4, b % 4, b)
                gather(b).start()
            return carry

        lax.fori_loop(0, N_ROUNDS - 1, round_body, 0)
        for b in range(K_RING):
            gather(b).wait()
            pltpu.sync_copy(rows[b], h_sh.at[dbufs[b]], add=True)
        plsc.subcore_barrier()

        pltpu.sync_copy(
            h_sh.at[pl.ds(s * ROWS_PER_TILE_O, ROWS_PER_TILE_O)],
            out_hbm.at[pl.ds(c * N_NODES + s * ROWS_PER_TILE_O, ROWS_PER_TILE_O)])

        @pl.when(s == 0)
        def _tail():
            pltpu.sync_copy(
                h_sh.at[pl.ds(NS * ROWS_PER_TILE_O, TAIL_O)],
                out_hbm.at[pl.ds(c * N_NODES + NS * ROWS_PER_TILE_O, TAIL_O)])

    return k(packed, x2)


def _mm_body(h0_ref, h1_ref, wt0_ref, wt1_ref, b_ref, o_ref):
    o_ref[...] = (
        jnp.dot(h0_ref[...], wt0_ref[...], preferred_element_type=jnp.float32)
        + jnp.dot(h1_ref[...], wt1_ref[...], preferred_element_type=jnp.float32)
        + b_ref[...]
    )


def _linear(h2, Wt, b):
    R = 1000
    grid = (N_NODES // R,)
    return pl.pallas_call(
        _mm_body,
        grid=grid,
        in_specs=[
            pl.BlockSpec((R, D_HALF), lambda i: (i, 0)),
            pl.BlockSpec((R, D_HALF), lambda i: (i + N_NODES // R, 0)),
            pl.BlockSpec((D_HALF, D_OUT), lambda i: (0, 0)),
            pl.BlockSpec((D_HALF, D_OUT), lambda i: (1, 0)),
            pl.BlockSpec((1, D_OUT), lambda i: (0, 0)),
        ],
        out_specs=pl.BlockSpec((R, D_OUT), lambda i: (i, 0)),
        out_shape=jax.ShapeDtypeStruct((N_NODES, D_OUT), jnp.float32),
    )(h2, h2, Wt, Wt, b.reshape(1, D_OUT))


def kernel(x, edge_index, W, b):
    src = edge_index[0].astype(jnp.int32)
    dst = edge_index[1].astype(jnp.int32)
    pad = E_PAD - N_EDGES
    x2 = x.reshape(N_NODES, 2, D_HALF).reshape(2 * N_NODES, D_HALF)
    g0 = jnp.concatenate([src * 2, jnp.zeros((pad,), jnp.int32)])
    dstp = jnp.concatenate([dst, jnp.full((pad,), N_NODES, jnp.int32)])
    base = dstp * 65536 + g0
    packed = jnp.stack([base, base + 1]).reshape(2, NS, N_CHUNKS // 4, 4 * CHUNK)
    h2 = _sc_segment_gather_sum(packed, x2)
    return _linear(h2, W.T, b)

# --- scband reference (transcript-rebuilt; emitter-appended) ---
"""Pipeline reference for scband-gcnlayer-17617955848765 (READ-ONLY COPY).

The authoritative reference and input builder live on the scoring server;
editing this copy changes nothing except your own understanding.
"""

import jax, jax.numpy as jnp
import numpy as np

N_NODES = 10000
N_EDGES = 160000
D_IN = 256
D_OUT = 256


def setup_inputs(seed: int = 0) -> dict:
    key = jax.random.key(seed)
    k1, k2, k3, k4 = jax.random.split(key, 4)
    x = jax.random.normal(k1, (N_NODES, D_IN), dtype=jnp.float32)
    edge_index = jax.random.randint(k2, (2, N_EDGES), 0, N_NODES, dtype=jnp.int64)
    # nn.Linear(in_feats, out_feats): weight [out, in], bias [out]
    bound = 1.0 / np.sqrt(D_IN)
    W = jax.random.uniform(k3, (D_OUT, D_IN), minval=-bound, maxval=bound, dtype=jnp.float32)
    b = jax.random.uniform(k4, (D_OUT,), minval=-bound, maxval=bound, dtype=jnp.float32)
    return {"x": x, "edge_index": edge_index, "W": W, "b": b}


def reference(x, edge_index, W, b):
    # DGL message passing: msg = src node features ('h' of edge source),
    # reduce = sum of incoming messages per destination node,
    # followed by a Linear layer.
    src = edge_index[0]
    dst = edge_index[1]
    msgs = jnp.take(x, src, axis=0)            # gather: [E, D_IN]
    h = jax.ops.segment_sum(msgs, dst, num_segments=N_NODES)  # scatter-add: [N, D_IN]
    out = h @ W.T + b                          # Linear: [N, D_OUT]
    return out

if __name__ == "__main__":
    import jax
    _d = setup_inputs()
    print(jax.jit(kernel)(*tuple(_d.values())))

</pallas_src>

<mosaic_0001>
#map = affine_map<(d0, d1) -> (0, 0, 0, 0)>
#map1 = affine_map<(d0, d1) -> (0, 0)>
module attributes {stable_mosaic.version = 14 : i64} {
  func.func @k(%arg0: i32, %arg1: i32, %arg2: memref<2x16x80x128xi32, #tpu.memory_space<hbm>>, %arg3: memref<20000x128xf32, #tpu.memory_space<hbm>>, %arg4: memref<20000x128xf32, #tpu.memory_space<hbm>>, %arg5: memref<80x128xi32, #tpu.memory_space<vmem>>, %arg6: memref<32xi32, #tpu.memory_space<vmem>>, %arg7: memref<32xi32, #tpu.memory_space<vmem>>, %arg8: memref<32xi32, #tpu.memory_space<vmem>>, %arg9: memref<32xi32, #tpu.memory_space<vmem>>, %arg10: memref<32xi32, #tpu.memory_space<vmem>>, %arg11: memref<32xi32, #tpu.memory_space<vmem>>, %arg12: memref<32xi32, #tpu.memory_space<vmem>>, %arg13: memref<32xi32, #tpu.memory_space<vmem>>, %arg14: memref<32xi32, #tpu.memory_space<vmem>>, %arg15: memref<32xi32, #tpu.memory_space<vmem>>, %arg16: memref<32xi32, #tpu.memory_space<vmem>>, %arg17: memref<32xi32, #tpu.memory_space<vmem>>, %arg18: memref<32xi32, #tpu.memory_space<vmem>>, %arg19: memref<32xi32, #tpu.memory_space<vmem>>, %arg20: memref<32xi32, #tpu.memory_space<vmem>>, %arg21: memref<32xi32, #tpu.memory_space<vmem>>, %arg22: memref<32x128xf32, #tpu.memory_space<vmem>>, %arg23: memref<32x128xf32, #tpu.memory_space<vmem>>, %arg24: memref<32x128xf32, #tpu.memory_space<vmem>>, %arg25: memref<32x128xf32, #tpu.memory_space<vmem>>, %arg26: memref<32x128xf32, #tpu.memory_space<vmem>>, %arg27: memref<32x128xf32, #tpu.memory_space<vmem>>, %arg28: memref<32x128xf32, #tpu.memory_space<vmem>>, %arg29: memref<32x128xf32, #tpu.memory_space<vmem>>, %arg30: memref<10112x128xf32, #tpu.memory_space<vmem_shared>>, %arg31: memref<!tpu.dma_semaphore, #tpu.memory_space<semaphore_mem>>, %arg32: memref<!tpu.dma_semaphore, #tpu.memory_space<semaphore_mem>>, %arg33: memref<!tpu.dma_semaphore, #tpu.memory_space<semaphore_mem>>, %arg34: memref<!tpu.dma_semaphore, #tpu.memory_space<semaphore_mem>>, %arg35: memref<!tpu.dma_semaphore, #tpu.memory_space<semaphore_mem>>, %arg36: memref<!tpu.dma_semaphore, #tpu.memory_space<semaphore_mem>>, %arg37: memref<!tpu.dma_semaphore, #tpu.memory_space<semaphore_mem>>, %arg38: memref<!tpu.dma_semaphore, #tpu.memory_space<semaphore_mem>>) attributes {dimension_semantics = [#tpu.dimension_semantics<core_parallel>, #tpu.dimension_semantics<subcore_parallel>], iteration_bounds = array<i64: 2, 16>, scalar_prefetch = 0 : i64, scratch_operands = 34 : i64, tpu.core_type = #tpu.core_type<sc_vector_subcore>, window_params = [{transform_indices = #map}, {transform_indices = #map1}, {transform_indices = #map1}]} {
    "tpu.region"() ({
      %run_scoped3A = tpu.sem_alloc : memref<!tpu.dma_semaphore, #tpu.memory_space<semaphore_mem>>
      %dma_start3A_408 = arith.constant 0 : i32
      %dma_start3A_409 = arith.constant 0 : i32
      %dma_start3A_410 = tpu.memref_slice %arg2[%arg0, %arg1, %dma_start3A_408, %dma_start3A_409] : memref<2x16x80x128xi32, #tpu.memory_space<hbm>> -> memref<1x1x80x128xi32, #tpu.memory_space<hbm>>
      %dma_start3A_411 = tpu.memref_squeeze %dma_start3A_410 : memref<1x1x80x128xi32, #tpu.memory_space<hbm>> -> memref<80x128xi32, #tpu.memory_space<hbm>>
      %dma_start3A_412 = arith.constant 0 : i32
      %dma_start3A_413 = arith.constant 0 : i32
      %dma_start3A_414 = tpu.memref_slice %arg2[%arg0, %arg1, %dma_start3A_412, %dma_start3A_413] : memref<2x16x80x128xi32, #tpu.memory_space<hbm>> -> memref<1x1x80x128xi32, #tpu.memory_space<hbm>>
      %dma_start3A_415 = tpu.memref_squeeze %dma_start3A_414 : memref<1x1x80x128xi32, #tpu.memory_space<hbm>> -> memref<80x128xi32, #tpu.memory_space<hbm>>
      tpu.enqueue_dma source(%dma_start3A_415 : memref<80x128xi32, #tpu.memory_space<hbm>>) target(%arg5 : memref<80x128xi32, #tpu.memory_space<vmem>>) target_semaphore(%run_scoped3A : memref<!tpu.dma_semaphore, #tpu.memory_space<semaphore_mem>>)
      %dma_wait3A_416 = arith.constant 0 : i32
      %dma_wait3A_417 = arith.constant 0 : i32
      %dma_wait3A_418 = tpu.memref_slice %arg2[%arg0, %arg1, %dma_wait3A_416, %dma_wait3A_417] : memref<2x16x80x128xi32, #tpu.memory_space<hbm>> -> memref<1x1x80x128xi32, #tpu.memory_space<hbm>>
      %dma_wait3A_419 = tpu.memref_squeeze %dma_wait3A_418 : memref<1x1x80x128xi32, #tpu.memory_space<hbm>> -> memref<80x128xi32, #tpu.memory_space<hbm>>
      %dma_wait3A_420 = arith.constant 0 : i32
      %dma_wait3A_421 = arith.constant 0 : i32
      %dma_wait3A_422 = tpu.memref_slice %arg2[%arg0, %arg1, %dma_wait3A_420, %dma_wait3A_421] : memref<2x16x80x128xi32, #tpu.memory_space<hbm>> -> memref<1x1x80x128xi32, #tpu.memory_space<hbm>>
      %dma_wait3A_423 = tpu.memref_squeeze %dma_wait3A_422 : memref<1x1x80x128xi32, #tpu.memory_space<hbm>> -> memref<80x128xi32, #tpu.memory_space<hbm>>
      tpu.wait_dma2 semaphore(%run_scoped3A : memref<!tpu.dma_semaphore, #tpu.memory_space<semaphore_mem>>) src(%dma_wait3A_423 : memref<80x128xi32, #tpu.memory_space<hbm>>) dst(%arg5 : memref<80x128xi32, #tpu.memory_space<vmem>>)
      tpu.yield
    }) : () -> ()
    %broadcast_in_dim3A = arith.constant 0.000000e+00 : f32
    %broadcast_in_dim3A_0 = vector.broadcast %broadcast_in_dim3A : f32 to vector<16xf32>
    %scan3A = arith.constant 0 : i32
    %scan3A_1 = arith.constant 0 : i32
    %scan3A_2 = arith.constant 32 : i32
    %scan3A_3 = arith.addi %scan3A_1, %scan3A_2 : i32
    %scan3A_4 = arith.constant 1 : i32
    scf.for %scan3A_408 = %scan3A_1 to %scan3A_3 step %scan3A_4  : i32 {
      %swap3A_409 = arith.index_cast %scan3A_408 : i32 to index
      %swap3A_410 = arith.constant 0 : index
      %swap3A_411 = tpu.vector_load %arg22[%swap3A_409, %swap3A_410] {strides = array<i32>} : memref<32x128xf32, #tpu.memory_space<vmem>>, vector<1x16xf32>,
      %swap3A_412 = vector.shape_cast %swap3A_411 : vector<1x16xf32> to vector<16xf32>
      %swap3A_413 = vector.shape_cast %broadcast_in_dim3A_0 : vector<16xf32> to vector<1x16xf32>
      tpu.vector_store %arg22[%swap3A_409, %swap3A_410], %swap3A_413 {strides = array<i32>} : memref<32x128xf32, #tpu.memory_space<vmem>>, vector<1x16xf32>,
      %swap3A_414 = arith.index_cast %scan3A_408 : i32 to index
      %swap3A_415 = arith.constant 16 : index
      %swap3A_416 = tpu.vector_load %arg22[%swap3A_414, %swap3A_415] {strides = array<i32>} : memref<32x128xf32, #tpu.memory_space<vmem>>, vector<1x16xf32>,
      %swap3A_417 = vector.shape_cast %swap3A_416 : vector<1x16xf32> to vector<16xf32>
      %swap3A_418 = vector.shape_cast %broadcast_in_dim3A_0 : vector<16xf32> to vector<1x16xf32>
      tpu.vector_store %arg22[%swap3A_414, %swap3A_415], %swap3A_418 {strides = array<i32>} : memref<32x128xf32, #tpu.memory_space<vmem>>, vector<1x16xf32>,
      %swap3A_419 = arith.index_cast %scan3A_408 : i32 to index
      %swap3A_420 = arith.constant 32 : index
      %swap3A_421 = tpu.vector_load %arg22[%swap3A_419, %swap3A_420] {strides = array<i32>} : memref<32x128xf32, #tpu.memory_space<vmem>>, vector<1x16xf32>,
      %swap3A_422 = vector.shape_cast %swap3A_421 : vector<1x16xf32> to vector<16xf32>
      %swap3A_423 = vector.shape_cast %broadcast_in_dim3A_0 : vector<16xf32> to vector<1x16xf32>
      tpu.vector_store %arg22[%swap3A_419, %swap3A_420], %swap3A_423 {strides = array<i32>} : memref<32x128xf32, #tpu.memory_space<vmem>>, vector<1x16xf32>,
      %swap3A_424 = arith.index_cast %scan3A_408 : i32 to index
      %swap3A_425 = arith.constant 48 : index
      %swap3A_426 = tpu.vector_load %arg22[%swap3A_424, %swap3A_425] {strides = array<i32>} : memref<32x128xf32, #tpu.memory_space<vmem>>, vector<1x16xf32>,
      %swap3A_427 = vector.shape_cast %swap3A_426 : vector<1x16xf32> to vector<16xf32>
      %swap3A_428 = vector.shape_cast %broadcast_in_dim3A_0 : vector<16xf32> to vector<1x16xf32>
      tpu.vector_store %arg22[%swap3A_424, %swap3A_425], %swap3A_428 {strides = array<i32>} : memref<32x128xf32, #tpu.memory_space<vmem>>, vector<1x16xf32>,
      %swap3A_429 = arith.index_cast %scan3A_408 : i32 to index
      %swap3A_430 = arith.constant 64 : index
      %swap3A_431 = tpu.vector_load %arg22[%swap3A_429, %swap3A_430] {strides = array<i32>} : memref<32x128xf32, #tpu.memory_space<vmem>>, vector<1x16xf32>,
      %swap3A_432 = vector.shape_cast %swap3A_431 : vector<1x16xf32> to vector<16xf32>
      %swap3A_433 = vector.shape_cast %broadcast_in_dim3A_0 : vector<16xf32> to vector<1x16xf32>
      tpu.vector_store %arg22[%swap3A_429, %swap3A_430], %swap3A_433 {strides = array<i32>} : memref<32x128xf32, #tpu.memory_space<vmem>>, vector<1x16xf32>,
      %swap3A_434 = arith.index_cast %scan3A_408 : i32 to index
      %swap3A_435 = arith.constant 80 : index
      %swap3A_436 = tpu.vector_load %arg22[%swap3A_434, %swap3A_435] {strides = array<i32>} : memref<32x128xf32, #tpu.memory_space<vmem>>, vector<1x16xf32>,
      %swap3A_437 = vector.shape_cast %swap3A_436 : vector<1x16xf32> to vector<16xf32>
      %swap3A_438 = vector.shape_cast %broadcast_in_dim3A_0 : vector<16xf32> to vector<1x16xf32>
      tpu.vector_store %arg22[%swap3A_434, %swap3A_435], %swap3A_438 {strides = array<i32>} : memref<32x128xf32, #tpu.memory_space<vmem>>, vector<1x16xf32>,
      %swap3A_439 = arith.index_cast %scan3A_408 : i32 to index
      %swap3A_440 = arith.constant 96 : index
      %swap3A_441 = tpu.vector_load %arg22[%swap3A_439, %swap3A_440] {strides = array<i32>} : memref<32x128xf32, #tpu.memory_space<vmem>>, vector<1x16xf32>,
      %swap3A_442 = vector.shape_cast %swap3A_441 : vector<1x16xf32> to vector<16xf32>
      %swap3A_443 = vector.shape_cast %broadcast_in_dim3A_0 : vector<16xf32> to vector<1x16xf32>
      tpu.vector_store %arg22[%swap3A_439, %swap3A_440], %swap3A_443 {strides = array<i32>} : memref<32x128xf32, #tpu.memory_space<vmem>>, vector<1x16xf32>,
      %swap3A_444 = arith.index_cast %scan3A_408 : i32 to index
      %swap3A_445 = arith.constant 112 : index
      %swap3A_446 = tpu.vector_load %arg22[%swap3A_444, %swap3A_445] {strides = array<i32>} : memref<32x128xf32, #tpu.memory_space<vmem>>, vector<1x16xf32>,
      %swap3A_447 = vector.shape_cast %swap3A_446 : vector<1x16xf32> to vector<16xf32>
      %swap3A_448 = vector.shape_cast %broadcast_in_dim3A_0 : vector<16xf32> to vector<1x16xf32>
      tpu.vector_store %arg22[%swap3A_444, %swap3A_445], %swap3A_448 {strides = array<i32>} : memref<32x128xf32, #tpu.memory_space<vmem>>, vector<1x16xf32>,
    }
    %scan3A_5 = arith.constant 32 : i32
    %mul3A = arith.constant 632 : i32
    %mul3A_6 = arith.muli %arg1, %mul3A : i32
    %add3A = arith.constant 0 : i32
    %add3A_7 = arith.addi %mul3A_6, %add3A : i32
    "tpu.region"() ({
      %run_scoped3A = tpu.sem_alloc : memref<!tpu.dma_semaphore, #tpu.memory_space<semaphore_mem>>
      %dma_start3A_408 = arith.constant 0 : i32
      %dma_start3A_409 = tpu.memref_slice %arg30[%add3A_7, %dma_start3A_408] : memref<10112x128xf32, #tpu.memory_space<vmem_shared>> -> memref<32x128xf32, #tpu.memory_space<vmem_shared>>
      %dma_start3A_410 = arith.constant 0 : i32
      %dma_start3A_411 = tpu.memref_slice %arg30[%add3A_7, %dma_start3A_410] : memref<10112x128xf32, #tpu.memory_space<vmem_shared>> -> memref<32x128xf32, #tpu.memory_space<vmem_shared>>
      tpu.enqueue_dma source(%arg22 : memref<32x128xf32, #tpu.memory_space<vmem>>) target(%dma_start3A_411 : memref<32x128xf32, #tpu.memory_space<vmem_shared>>) target_semaphore(%run_scoped3A : memref<!tpu.dma_semaphore, #tpu.memory_space<semaphore_mem>>)
      %dma_wait3A_412 = arith.constant 0 : i32
      %dma_wait3A_413 = tpu.memref_slice %arg30[%add3A_7, %dma_wait3A_412] : memref<10112x128xf32, #tpu.memory_space<vmem_shared>> -> memref<32x128xf32, #tpu.memory_space<vmem_shared>>
      %dma_wait3A_414 = arith.constant 0 : i32
      %dma_wait3A_415 = tpu.memref_slice %arg30[%add3A_7, %dma_wait3A_414] : memref<10112x128xf32, #tpu.memory_space<vmem_shared>> -> memref<32x128xf32, #tpu.memory_space<vmem_shared>>
      tpu.wait_dma2 semaphore(%run_scoped3A : memref<!tpu.dma_semaphore, #tpu.memory_space<semaphore_mem>>) src(%arg22 : memref<32x128xf32, #tpu.memory_space<vmem>>) dst(%dma_wait3A_415 : memref<32x128xf32, #tpu.memory_space<vmem_shared>>)
      tpu.yield
    }) : () -> ()
    %add3A_8 = arith.constant 32 : i32
    %add3A_9 = arith.addi %mul3A_6, %add3A_8 : i32
    "tpu.region"() ({
      %run_scoped3A = tpu.sem_alloc : memref<!tpu.dma_semaphore, #tpu.memory_space<semaphore_mem>>
      %dma_start3A_408 = arith.constant 0 : i32
      %dma_start3A_409 = tpu.memref_slice %arg30[%add3A_9, %dma_start3A_408] : memref<10112x128xf32, #tpu.memory_space<vmem_shared>> -> memref<32x128xf32, #tpu.memory_space<vmem_shared>>
      %dma_start3A_410 = arith.constant 0 : i32
      %dma_start3A_411 = tpu.memref_slice %arg30[%add3A_9, %dma_start3A_410] : memref<10112x128xf32, #tpu.memory_space<vmem_shared>> -> memref<32x128xf32, #tpu.memory_space<vmem_shared>>
      tpu.enqueue_dma source(%arg22 : memref<32x128xf32, #tpu.memory_space<vmem>>) target(%dma_start3A_411 : memref<32x128xf32, #tpu.memory_space<vmem_shared>>) target_semaphore(%run_scoped3A : memref<!tpu.dma_semaphore, #tpu.memory_space<semaphore_mem>>)
      %dma_wait3A_412 = arith.constant 0 : i32
      %dma_wait3A_413 = tpu.memref_slice %arg30[%add3A_9, %dma_wait3A_412] : memref<10112x128xf32, #tpu.memory_space<vmem_shared>> -> memref<32x128xf32, #tpu.memory_space<vmem_shared>>
      %dma_wait3A_414 = arith.constant 0 : i32
      %dma_wait3A_415 = tpu.memref_slice %arg30[%add3A_9, %dma_wait3A_414] : memref<10112x128xf32, #tpu.memory_space<vmem_shared>> -> memref<32x128xf32, #tpu.memory_space<vmem_shared>>
      tpu.wait_dma2 semaphore(%run_scoped3A : memref<!tpu.dma_semaphore, #tpu.memory_space<semaphore_mem>>) src(%arg22 : memref<32x128xf32, #tpu.memory_space<vmem>>) dst(%dma_wait3A_415 : memref<32x128xf32, #tpu.memory_space<vmem_shared>>)
      tpu.yield
    }) : () -> ()
    %add3A_10 = arith.constant 64 : i32
    %add3A_11 = arith.addi %mul3A_6, %add3A_10 : i32
    "tpu.region"() ({
      %run_scoped3A = tpu.sem_alloc : memref<!tpu.dma_semaphore, #tpu.memory_space<semaphore_mem>>
      %dma_start3A_408 = arith.constant 0 : i32
      %dma_start3A_409 = tpu.memref_slice %arg30[%add3A_11, %dma_start3A_408] : memref<10112x128xf32, #tpu.memory_space<vmem_shared>> -> memref<32x128xf32, #tpu.memory_space<vmem_shared>>
      %dma_start3A_410 = arith.constant 0 : i32
      %dma_start3A_411 = tpu.memref_slice %arg30[%add3A_11, %dma_start3A_410] : memref<10112x128xf32, #tpu.memory_space<vmem_shared>> -> memref<32x128xf32, #tpu.memory_space<vmem_shared>>
      tpu.enqueue_dma source(%arg22 : memref<32x128xf32, #tpu.memory_space<vmem>>) target(%dma_start3A_411 : memref<32x128xf32, #tpu.memory_space<vmem_shared>>) target_semaphore(%run_scoped3A : memref<!tpu.dma_semaphore, #tpu.memory_space<semaphore_mem>>)
      %dma_wait3A_412 = arith.constant 0 : i32
      %dma_wait3A_413 = tpu.memref_slice %arg30[%add3A_11, %dma_wait3A_412] : memref<10112x128xf32, #tpu.memory_space<vmem_shared>> -> memref<32x128xf32, #tpu.memory_space<vmem_shared>>
      %dma_wait3A_414 = arith.constant 0 : i32
      %dma_wait3A_415 = tpu.memref_slice %arg30[%add3A_11, %dma_wait3A_414] : memref<10112x128xf32, #tpu.memory_space<vmem_shared>> -> memref<32x128xf32, #tpu.memory_space<vmem_shared>>
      tpu.wait_dma2 semaphore(%run_scoped3A : memref<!tpu.dma_semaphore, #tpu.memory_space<semaphore_mem>>) src(%arg22 : memref<32x128xf32, #tpu.memory_space<vmem>>) dst(%dma_wait3A_415 : memref<32x128xf32, #tpu.memory_space<vmem_shared>>)
      tpu.yield
    }) : () -> ()
    %add3A_12 = arith.constant 96 : i32
    %add3A_13 = arith.addi %mul3A_6, %add3A_12 : i32
    "tpu.region"() ({
      %run_scoped3A = tpu.sem_alloc : memref<!tpu.dma_semaphore, #tpu.memory_space<semaphore_mem>>
      %dma_start3A_408 = arith.constant 0 : i32
      %dma_start3A_409 = tpu.memref_slice %arg30[%add3A_13, %dma_start3A_408] : memref<10112x128xf32, #tpu.memory_space<vmem_shared>> -> memref<32x128xf32, #tpu.memory_space<vmem_shared>>
      %dma_start3A_410 = arith.constant 0 : i32
      %dma_start3A_411 = tpu.memref_slice %arg30[%add3A_13, %dma_start3A_410] : memref<10112x128xf32, #tpu.memory_space<vmem_shared>> -> memref<32x128xf32, #tpu.memory_space<vmem_shared>>
      tpu.enqueue_dma source(%arg22 : memref<32x128xf32, #tpu.memory_space<vmem>>) target(%dma_start3A_411 : memref<32x128xf32, #tpu.memory_space<vmem_shared>>) target_semaphore(%run_scoped3A : memref<!tpu.dma_semaphore, #tpu.memory_space<semaphore_mem>>)
      %dma_wait3A_412 = arith.constant 0 : i32
      %dma_wait3A_413 = tpu.memref_slice %arg30[%add3A_13, %dma_wait3A_412] : memref<10112x128xf32, #tpu.memory_space<vmem_shared>> -> memref<32x128xf32, #tpu.memory_space<vmem_shared>>
      %dma_wait3A_414 = arith.constant 0 : i32
      %dma_wait3A_415 = tpu.memref_slice %arg30[%add3A_13, %dma_wait3A_414] : memref<10112x128xf32, #tpu.memory_space<vmem_shared>> -> memref<32x128xf32, #tpu.memory_space<vmem_shared>>
      tpu.wait_dma2 semaphore(%run_scoped3A : memref<!tpu.dma_semaphore, #tpu.memory_space<semaphore_mem>>) src(%arg22 : memref<32x128xf32, #tpu.memory_space<vmem>>) dst(%dma_wait3A_415 : memref<32x128xf32, #tpu.memory_space<vmem_shared>>)
      tpu.yield
    }) : () -> ()
    %add3A_14 = arith.constant 128 : i32
    %add3A_15 = arith.addi %mul3A_6, %add3A_14 : i32
    "tpu.region"() ({
      %run_scoped3A = tpu.sem_alloc : memref<!tpu.dma_semaphore, #tpu.memory_space<semaphore_mem>>
      %dma_start3A_408 = arith.constant 0 : i32
      %dma_start3A_409 = tpu.memref_slice %arg30[%add3A_15, %dma_start3A_408] : memref<10112x128xf32, #tpu.memory_space<vmem_shared>> -> memref<32x128xf32, #tpu.memory_space<vmem_shared>>
      %dma_start3A_410 = arith.constant 0 : i32
      %dma_start3A_411 = tpu.memref_slice %arg30[%add3A_15, %dma_start3A_410] : memref<10112x128xf32, #tpu.memory_space<vmem_shared>> -> memref<32x128xf32, #tpu.memory_space<vmem_shared>>
      tpu.enqueue_dma source(%arg22 : memref<32x128xf32, #tpu.memory_space<vmem>>) target(%dma_start3A_411 : memref<32x128xf32, #tpu.memory_space<vmem_shared>>) target_semaphore(%run_scoped3A : memref<!tpu.dma_semaphore, #tpu.memory_space<semaphore_mem>>)
      %dma_wait3A_412 = arith.constant 0 : i32
      %dma_wait3A_413 = tpu.memref_slice %arg30[%add3A_15, %dma_wait3A_412] : memref<10112x128xf32, #tpu.memory_space<vmem_shared>> -> memref<32x128xf32, #tpu.memory_space<vmem_shared>>
      %dma_wait3A_414 = arith.constant 0 : i32
      %dma_wait3A_415 = tpu.memref_slice %arg30[%add3A_15, %dma_wait3A_414] : memref<10112x128xf32, #tpu.memory_space<vmem_shared>> -> memref<32x128xf32, #tpu.memory_space<vmem_shared>>
      tpu.wait_dma2 semaphore(%run_scoped3A : memref<!tpu.dma_semaphore, #tpu.memory_space<semaphore_mem>>) src(%arg22 : memref<32x128xf32, #tpu.memory_space<vmem>>) dst(%dma_wait3A_415 : memref<32x128xf32, #tpu.memory_space<vmem_shared>>)
      tpu.yield
    }) : () -> ()
    %add3A_16 = arith.constant 160 : i32
    %add3A_17 = arith.addi %mul3A_6, %add3A_16 : i32
    "tpu.region"() ({
      %run_scoped3A = tpu.sem_alloc : memref<!tpu.dma_semaphore, #tpu.memory_space<semaphore_mem>>
      %dma_start3A_408 = arith.constant 0 : i32
      %dma_start3A_409 = tpu.memref_slice %arg30[%add3A_17, %dma_start3A_408] : memref<10112x128xf32, #tpu.memory_space<vmem_shared>> -> memref<32x128xf32, #tpu.memory_space<vmem_shared>>
      %dma_start3A_410 = arith.constant 0 : i32
      %dma_start3A_411 = tpu.memref_slice %arg30[%add3A_17, %dma_start3A_410] : memref<10112x128xf32, #tpu.memory_space<vmem_shared>> -> memref<32x128xf32, #tpu.memory_space<vmem_shared>>
      tpu.enqueue_dma source(%arg22 : memref<32x128xf32, #tpu.memory_space<vmem>>) target(%dma_start3A_411 : memref<32x128xf32, #tpu.memory_space<vmem_shared>>) target_semaphore(%run_scoped3A : memref<!tpu.dma_semaphore, #tpu.memory_space<semaphore_mem>>)
      %dma_wait3A_412 = arith.constant 0 : i32
      %dma_wait3A_413 = tpu.memref_slice %arg30[%add3A_17, %dma_wait3A_412] : memref<10112x128xf32, #tpu.memory_space<vmem_shared>> -> memref<32x128xf32, #tpu.memory_space<vmem_shared>>
      %dma_wait3A_414 = arith.constant 0 : i32
      %dma_wait3A_415 = tpu.memref_slice %arg30[%add3A_17, %dma_wait3A_414] : memref<10112x128xf32, #tpu.memory_space<vmem_shared>> -> memref<32x128xf32, #tpu.memory_space<vmem_shared>>
      tpu.wait_dma2 semaphore(%run_scoped3A : memref<!tpu.dma_semaphore, #tpu.memory_space<semaphore_mem>>) src(%arg22 : memref<32x128xf32, #tpu.memory_space<vmem>>) dst(%dma_wait3A_415 : memref<32x128xf32, #tpu.memory_space<vmem_shared>>)
      tpu.yield
    }) : () -> ()
    %add3A_18 = arith.constant 192 : i32
    %add3A_19 = arith.addi %mul3A_6, %add3A_18 : i32
    "tpu.region"() ({
      %run_scoped3A = tpu.sem_alloc : memref<!tpu.dma_semaphore, #tpu.memory_space<semaphore_mem>>
      %dma_start3A_408 = arith.constant 0 : i32
      %dma_start3A_409 = tpu.memref_slice %arg30[%add3A_19, %dma_start3A_408] : memref<10112x128xf32, #tpu.memory_space<vmem_shared>> -> memref<32x128xf32, #tpu.memory_space<vmem_shared>>
      %dma_start3A_410 = arith.constant 0 : i32
      %dma_start3A_411 = tpu.memref_slice %arg30[%add3A_19, %dma_start3A_410] : memref<10112x128xf32, #tpu.memory_space<vmem_shared>> -> memref<32x128xf32, #tpu.memory_space<vmem_shared>>
      tpu.enqueue_dma source(%arg22 : memref<32x128xf32, #tpu.memory_space<vmem>>) target(%dma_start3A_411 : memref<32x128xf32, #tpu.memory_space<vmem_shared>>) target_semaphore(%run_scoped3A : memref<!tpu.dma_semaphore, #tpu.memory_space<semaphore_mem>>)
      %dma_wait3A_412 = arith.constant 0 : i32
      %dma_wait3A_413 = tpu.memref_slice %arg30[%add3A_19, %dma_wait3A_412] : memref<10112x128xf32, #tpu.memory_space<vmem_shared>> -> memref<32x128xf32, #tpu.memory_space<vmem_shared>>
      %dma_wait3A_414 = arith.constant 0 : i32
      %dma_wait3A_415 = tpu.memref_slice %arg30[%add3A_19, %dma_wait3A_414] : memref<10112x128xf32, #tpu.memory_space<vmem_shared>> -> memref<32x128xf32, #tpu.memory_space<vmem_shared>>
      tpu.wait_dma2 semaphore(%run_scoped3A : memref<!tpu.dma_semaphore, #tpu.memory_space<semaphore_mem>>) src(%arg22 : memref<32x128xf32, #tpu.memory_space<vmem>>) dst(%dma_wait3A_415 : memref<32x128xf32, #tpu.memory_space<vmem_shared>>)
      tpu.yield
    }) : () -> ()
    %add3A_20 = arith.constant 224 : i32
    %add3A_21 = arith.addi %mul3A_6, %add3A_20 : i32
    "tpu.region"() ({
      %run_scoped3A = tpu.sem_alloc : memref<!tpu.dma_semaphore, #tpu.memory_space<semaphore_mem>>
      %dma_start3A_408 = arith.constant 0 : i32
      %dma_start3A_409 = tpu.memref_slice %arg30[%add3A_21, %dma_start3A_408] : memref<10112x128xf32, #tpu.memory_space<vmem_shared>> -> memref<32x128xf32, #tpu.memory_space<vmem_shared>>
      %dma_start3A_410 = arith.constant 0 : i32
      %dma_start3A_411 = tpu.memref_slice %arg30[%add3A_21, %dma_start3A_410] : memref<10112x128xf32, #tpu.memory_space<vmem_shared>> -> memref<32x128xf32, #tpu.memory_space<vmem_shared>>
      tpu.enqueue_dma source(%arg22 : memref<32x128xf32, #tpu.memory_space<vmem>>) target(%dma_start3A_411 : memref<32x128xf32, #tpu.memory_space<vmem_shared>>) target_semaphore(%run_scoped3A : memref<!tpu.dma_semaphore, #tpu.memory_space<semaphore_mem>>)
      %dma_wait3A_412 = arith.constant 0 : i32
      %dma_wait3A_413 = tpu.memref_slice %arg30[%add3A_21, %dma_wait3A_412] : memref<10112x128xf32, #tpu.memory_space<vmem_shared>> -> memref<32x128xf32, #tpu.memory_space<vmem_shared>>
      %dma_wait3A_414 = arith.constant 0 : i32
      %dma_wait3A_415 = tpu.memref_slice %arg30[%add3A_21, %dma_wait3A_414] : memref<10112x128xf32, #tpu.memory_space<vmem_shared>> -> memref<32x128xf32, #tpu.memory_space<vmem_shared>>
      tpu.wait_dma2 semaphore(%run_scoped3A : memref<!tpu.dma_semaphore, #tpu.memory_space<semaphore_mem>>) src(%arg22 : memref<32x128xf32, #tpu.memory_space<vmem>>) dst(%dma_wait3A_415 : memref<32x128xf32, #tpu.memory_space<vmem_shared>>)
      tpu.yield
    }) : () -> ()
    %add3A_22 = arith.constant 256 : i32
    %add3A_23 = arith.addi %mul3A_6, %add3A_22 : i32
    "tpu.region"() ({
      %run_scoped3A = tpu.sem_alloc : memref<!tpu.dma_semaphore, #tpu.memory_space<semaphore_mem>>
      %dma_start3A_408 = arith.constant 0 : i32
      %dma_start3A_409 = tpu.memref_slice %arg30[%add3A_23, %dma_start3A_408] : memref<10112x128xf32, #tpu.memory_space<vmem_shared>> -> memref<32x128xf32, #tpu.memory_space<vmem_shared>>
      %dma_start3A_410 = arith.constant 0 : i32
      %dma_start3A_411 = tpu.memref_slice %arg30[%add3A_23, %dma_start3A_410] : memref<10112x128xf32, #tpu.memory_space<vmem_shared>> -> memref<32x128xf32, #tpu.memory_space<vmem_shared>>
      tpu.enqueue_dma source(%arg22 : memref<32x128xf32, #tpu.memory_space<vmem>>) target(%dma_start3A_411 : memref<32x128xf32, #tpu.memory_space<vmem_shared>>) target_semaphore(%run_scoped3A : memref<!tpu.dma_semaphore, #tpu.memory_space<semaphore_mem>>)
      %dma_wait3A_412 = arith.constant 0 : i32
      %dma_wait3A_413 = tpu.memref_slice %arg30[%add3A_23, %dma_wait3A_412] : memref<10112x128xf32, #tpu.memory_space<vmem_shared>> -> memref<32x128xf32, #tpu.memory_space<vmem_shared>>
      %dma_wait3A_414 = arith.constant 0 : i32
      %dma_wait3A_415 = tpu.memref_slice %arg30[%add3A_23, %dma_wait3A_414] : memref<10112x128xf32, #tpu.memory_space<vmem_shared>> -> memref<32x128xf32, #tpu.memory_space<vmem_shared>>
      tpu.wait_dma2 semaphore(%run_scoped3A : memref<!tpu.dma_semaphore, #tpu.memory_space<semaphore_mem>>) src(%arg22 : memref<32x128xf32, #tpu.memory_space<vmem>>) dst(%dma_wait3A_415 : memref<32x128xf32, #tpu.memory_space<vmem_shared>>)
      tpu.yield
    }) : () -> ()
    %add3A_24 = arith.constant 288 : i32
    %add3A_25 = arith.addi %mul3A_6, %add3A_24 : i32
    "tpu.region"() ({
      %run_scoped3A = tpu.sem_alloc : memref<!tpu.dma_semaphore, #tpu.memory_space<semaphore_mem>>
      %dma_start3A_408 = arith.constant 0 : i32
      %dma_start3A_409 = tpu.memref_slice %arg30[%add3A_25, %dma_start3A_408] : memref<10112x128xf32, #tpu.memory_space<vmem_shared>> -> memref<32x128xf32, #tpu.memory_space<vmem_shared>>
      %dma_start3A_410 = arith.constant 0 : i32
      %dma_start3A_411 = tpu.memref_slice %arg30[%add3A_25, %dma_start3A_410] : memref<10112x128xf32, #tpu.memory_space<vmem_shared>> -> memref<32x128xf32, #tpu.memory_space<vmem_shared>>
      tpu.enqueue_dma source(%arg22 : memref<32x128xf32, #tpu.memory_space<vmem>>) target(%dma_start3A_411 : memref<32x128xf32, #tpu.memory_space<vmem_shared>>) target_semaphore(%run_scoped3A : memref<!tpu.dma_semaphore, #tpu.memory_space<semaphore_mem>>)
      %dma_wait3A_412 = arith.constant 0 : i32
      %dma_wait3A_413 = tpu.memref_slice %arg30[%add3A_25, %dma_wait3A_412] : memref<10112x128xf32, #tpu.memory_space<vmem_shared>> -> memref<32x128xf32, #tpu.memory_space<vmem_shared>>
      %dma_wait3A_414 = arith.constant 0 : i32
      %dma_wait3A_415 = tpu.memref_slice %arg30[%add3A_25, %dma_wait3A_414] : memref<10112x128xf32, #tpu.memory_space<vmem_shared>> -> memref<32x128xf32, #tpu.memory_space<vmem_shared>>
      tpu.wait_dma2 semaphore(%run_scoped3A : memref<!tpu.dma_semaphore, #tpu.memory_space<semaphore_mem>>) src(%arg22 : memref<32x128xf32, #tpu.memory_space<vmem>>) dst(%dma_wait3A_415 : memref<32x128xf32, #tpu.memory_space<vmem_shared>>)
      tpu.yield
    }) : () -> ()
    %add3A_26 = arith.constant 320 : i32
    %add3A_27 = arith.addi %mul3A_6, %add3A_26 : i32
    "tpu.region"() ({
      %run_scoped3A = tpu.sem_alloc : memref<!tpu.dma_semaphore, #tpu.memory_space<semaphore_mem>>
      %dma_start3A_408 = arith.constant 0 : i32
      %dma_start3A_409 = tpu.memref_slice %arg30[%add3A_27, %dma_start3A_408] : memref<10112x128xf32, #tpu.memory_space<vmem_shared>> -> memref<32x128xf32, #tpu.memory_space<vmem_shared>>
      %dma_start3A_410 = arith.constant 0 : i32
      %dma_start3A_411 = tpu.memref_slice %arg30[%add3A_27, %dma_start3A_410] : memref<10112x128xf32, #tpu.memory_space<vmem_shared>> -> memref<32x128xf32, #tpu.memory_space<vmem_shared>>
      tpu.enqueue_dma source(%arg22 : memref<32x128xf32, #tpu.memory_space<vmem>>) target(%dma_start3A_411 : memref<32x128xf32, #tpu.memory_space<vmem_shared>>) target_semaphore(%run_scoped3A : memref<!tpu.dma_semaphore, #tpu.memory_space<semaphore_mem>>)
      %dma_wait3A_412 = arith.constant 0 : i32
      %dma_wait3A_413 = tpu.memref_slice %arg30[%add3A_27, %dma_wait3A_412] : memref<10112x128xf32, #tpu.memory_space<vmem_shared>> -> memref<32x128xf32, #tpu.memory_space<vmem_shared>>
      %dma_wait3A_414 = arith.constant 0 : i32
      %dma_wait3A_415 = tpu.memref_slice %arg30[%add3A_27, %dma_wait3A_414] : memref<10112x128xf32, #tpu.memory_space<vmem_shared>> -> memref<32x128xf32, #tpu.memory_space<vmem_shared>>
      tpu.wait_dma2 semaphore(%run_scoped3A : memref<!tpu.dma_semaphore, #tpu.memory_space<semaphore_mem>>) src(%arg22 : memref<32x128xf32, #tpu.memory_space<vmem>>) dst(%dma_wait3A_415 : memref<32x128xf32, #tpu.memory_space<vmem_shared>>)
      tpu.yield
    }) : () -> ()
    %add3A_28 = arith.constant 352 : i32
    %add3A_29 = arith.addi %mul3A_6, %add3A_28 : i32
    "tpu.region"() ({
      %run_scoped3A = tpu.sem_alloc : memref<!tpu.dma_semaphore, #tpu.memory_space<semaphore_mem>>
      %dma_start3A_408 = arith.constant 0 : i32
      %dma_start3A_409 = tpu.memref_slice %arg30[%add3A_29, %dma_start3A_408] : memref<10112x128xf32, #tpu.memory_space<vmem_shared>> -> memref<32x128xf32, #tpu.memory_space<vmem_shared>>
      %dma_start3A_410 = arith.constant 0 : i32
      %dma_start3A_411 = tpu.memref_slice %arg30[%add3A_29, %dma_start3A_410] : memref<10112x128xf32, #tpu.memory_space<vmem_shared>> -> memref<32x128xf32, #tpu.memory_space<vmem_shared>>
      tpu.enqueue_dma source(%arg22 : memref<32x128xf32, #tpu.memory_space<vmem>>) target(%dma_start3A_411 : memref<32x128xf32, #tpu.memory_space<vmem_shared>>) target_semaphore(%run_scoped3A : memref<!tpu.dma_semaphore, #tpu.memory_space<semaphore_mem>>)
      %dma_wait3A_412 = arith.constant 0 : i32
      %dma_wait3A_413 = tpu.memref_slice %arg30[%add3A_29, %dma_wait3A_412] : memref<10112x128xf32, #tpu.memory_space<vmem_shared>> -> memref<32x128xf32, #tpu.memory_space<vmem_shared>>
      %dma_wait3A_414 = arith.constant 0 : i32
      %dma_wait3A_415 = tpu.memref_slice %arg30[%add3A_29, %dma_wait3A_414] : memref<10112x128xf32, #tpu.memory_space<vmem_shared>> -> memref<32x128xf32, #tpu.memory_space<vmem_shared>>
      tpu.wait_dma2 semaphore(%run_scoped3A : memref<!tpu.dma_semaphore, #tpu.memory_space<semaphore_mem>>) src(%arg22 : memref<32x128xf32, #tpu.memory_space<vmem>>) dst(%dma_wait3A_415 : memref<32x128xf32, #tpu.memory_space<vmem_shared>>)
      tpu.yield
    }) : () -> ()
    %add3A_30 = arith.constant 384 : i32
    %add3A_31 = arith.addi %mul3A_6, %add3A_30 : i32
    "tpu.region"() ({
      %run_scoped3A = tpu.sem_alloc : memref<!tpu.dma_semaphore, #tpu.memory_space<semaphore_mem>>
      %dma_start3A_408 = arith.constant 0 : i32
      %dma_start3A_409 = tpu.memref_slice %arg30[%add3A_31, %dma_start3A_408] : memref<10112x128xf32, #tpu.memory_space<vmem_shared>> -> memref<32x128xf32, #tpu.memory_space<vmem_shared>>
      %dma_start3A_410 = arith.constant 0 : i32
      %dma_start3A_411 = tpu.memref_slice %arg30[%add3A_31, %dma_start3A_410] : memref<10112x128xf32, #tpu.memory_space<vmem_shared>> -> memref<32x128xf32, #tpu.memory_space<vmem_shared>>
      tpu.enqueue_dma source(%arg22 : memref<32x128xf32, #tpu.memory_space<vmem>>) target(%dma_start3A_411 : memref<32x128xf32, #tpu.memory_space<vmem_shared>>) target_semaphore(%run_scoped3A : memref<!tpu.dma_semaphore, #tpu.memory_space<semaphore_mem>>)
      %dma_wait3A_412 = arith.constant 0 : i32
      %dma_wait3A_413 = tpu.memref_slice %arg30[%add3A_31, %dma_wait3A_412] : memref<10112x128xf32, #tpu.memory_space<vmem_shared>> -> memref<32x128xf32, #tpu.memory_space<vmem_shared>>
      %dma_wait3A_414 = arith.constant 0 : i32
      %dma_wait3A_415 = tpu.memref_slice %arg30[%add3A_31, %dma_wait3A_414] : memref<10112x128xf32, #tpu.memory_space<vmem_shared>> -> memref<32x128xf32, #tpu.memory_space<vmem_shared>>
      tpu.wait_dma2 semaphore(%run_scoped3A : memref<!tpu.dma_semaphore, #tpu.memory_space<semaphore_mem>>) src(%arg22 : memref<32x128xf32, #tpu.memory_space<vmem>>) dst(%dma_wait3A_415 : memref<32x128xf32, #tpu.memory_space<vmem_shared>>)
      tpu.yield
    }) : () -> ()
    %add3A_32 = arith.constant 416 : i32
    %add3A_33 = arith.addi %mul3A_6, %add3A_32 : i32
    "tpu.region"() ({
      %run_scoped3A = tpu.sem_alloc : memref<!tpu.dma_semaphore, #tpu.memory_space<semaphore_mem>>
      %dma_start3A_408 = arith.constant 0 : i32
      %dma_start3A_409 = tpu.memref_slice %arg30[%add3A_33, %dma_start3A_408] : memref<10112x128xf32, #tpu.memory_space<vmem_shared>> -> memref<32x128xf32, #tpu.memory_space<vmem_shared>>
      %dma_start3A_410 = arith.constant 0 : i32
      %dma_start3A_411 = tpu.memref_slice %arg30[%add3A_33, %dma_start3A_410] : memref<10112x128xf32, #tpu.memory_space<vmem_shared>> -> memref<32x128xf32, #tpu.memory_space<vmem_shared>>
      tpu.enqueue_dma source(%arg22 : memref<32x128xf32, #tpu.memory_space<vmem>>) target(%dma_start3A_411 : memref<32x128xf32, #tpu.memory_space<vmem_shared>>) target_semaphore(%run_scoped3A : memref<!tpu.dma_semaphore, #tpu.memory_space<semaphore_mem>>)
      %dma_wait3A_412 = arith.constant 0 : i32
      %dma_wait3A_413 = tpu.memref_slice %arg30[%add3A_33, %dma_wait3A_412] : memref<10112x128xf32, #tpu.memory_space<vmem_shared>> -> memref<32x128xf32, #tpu.memory_space<vmem_shared>>
      %dma_wait3A_414 = arith.constant 0 : i32
      %dma_wait3A_415 = tpu.memref_slice %arg30[%add3A_33, %dma_wait3A_414] : memref<10112x128xf32, #tpu.memory_space<vmem_shared>> -> memref<32x128xf32, #tpu.memory_space<vmem_shared>>
      tpu.wait_dma2 semaphore(%run_scoped3A : memref<!tpu.dma_semaphore, #tpu.memory_space<semaphore_mem>>) src(%arg22 : memref<32x128xf32, #tpu.memory_space<vmem>>) dst(%dma_wait3A_415 : memref<32x128xf32, #tpu.memory_space<vmem_shared>>)
      tpu.yield
    }) : () -> ()
    %add3A_34 = arith.constant 448 : i32
    %add3A_35 = arith.addi %mul3A_6, %add3A_34 : i32
    "tpu.region"() ({
      %run_scoped3A = tpu.sem_alloc : memref<!tpu.dma_semaphore, #tpu.memory_space<semaphore_mem>>
      %dma_start3A_408 = arith.constant 0 : i32
      %dma_start3A_409 = tpu.memref_slice %arg30[%add3A_35, %dma_start3A_408] : memref<10112x128xf32, #tpu.memory_space<vmem_shared>> -> memref<32x128xf32, #tpu.memory_space<vmem_shared>>
      %dma_start3A_410 = arith.constant 0 : i32
      %dma_start3A_411 = tpu.memref_slice %arg30[%add3A_35, %dma_start3A_410] : memref<10112x128xf32, #tpu.memory_space<vmem_shared>> -> memref<32x128xf32, #tpu.memory_space<vmem_shared>>
      tpu.enqueue_dma source(%arg22 : memref<32x128xf32, #tpu.memory_space<vmem>>) target(%dma_start3A_411 : memref<32x128xf32, #tpu.memory_space<vmem_shared>>) target_semaphore(%run_scoped3A : memref<!tpu.dma_semaphore, #tpu.memory_space<semaphore_mem>>)
      %dma_wait3A_412 = arith.constant 0 : i32
      %dma_wait3A_413 = tpu.memref_slice %arg30[%add3A_35, %dma_wait3A_412] : memref<10112x128xf32, #tpu.memory_space<vmem_shared>> -> memref<32x128xf32, #tpu.memory_space<vmem_shared>>
      %dma_wait3A_414 = arith.constant 0 : i32
      %dma_wait3A_415 = tpu.memref_slice %arg30[%add3A_35, %dma_wait3A_414] : memref<10112x128xf32, #tpu.memory_space<vmem_shared>> -> memref<32x128xf32, #tpu.memory_space<vmem_shared>>
      tpu.wait_dma2 semaphore(%run_scoped3A : memref<!tpu.dma_semaphore, #tpu.memory_space<semaphore_mem>>) src(%arg22 : memref<32x128xf32, #tpu.memory_space<vmem>>) dst(%dma_wait3A_415 : memref<32x128xf32, #tpu.memory_space<vmem_shared>>)
      tpu.yield
    }) : () -> ()
    %add3A_36 = arith.constant 480 : i32
    %add3A_37 = arith.addi %mul3A_6, %add3A_36 : i32
    "tpu.region"() ({
      %run_scoped3A = tpu.sem_alloc : memref<!tpu.dma_semaphore, #tpu.memory_space<semaphore_mem>>
      %dma_start3A_408 = arith.constant 0 : i32
      %dma_start3A_409 = tpu.memref_slice %arg30[%add3A_37, %dma_start3A_408] : memref<10112x128xf32, #tpu.memory_space<vmem_shared>> -> memref<32x128xf32, #tpu.memory_space<vmem_shared>>
      %dma_start3A_410 = arith.constant 0 : i32
      %dma_start3A_411 = tpu.memref_slice %arg30[%add3A_37, %dma_start3A_410] : memref<10112x128xf32, #tpu.memory_space<vmem_shared>> -> memref<32x128xf32, #tpu.memory_space<vmem_shared>>
      tpu.enqueue_dma source(%arg22 : memref<32x128xf32, #tpu.memory_space<vmem>>) target(%dma_start3A_411 : memref<32x128xf32, #tpu.memory_space<vmem_shared>>) target_semaphore(%run_scoped3A : memref<!tpu.dma_semaphore, #tpu.memory_space<semaphore_mem>>)
      %dma_wait3A_412 = arith.constant 0 : i32
      %dma_wait3A_413 = tpu.memref_slice %arg30[%add3A_37, %dma_wait3A_412] : memref<10112x128xf32, #tpu.memory_space<vmem_shared>> -> memref<32x128xf32, #tpu.memory_space<vmem_shared>>
      %dma_wait3A_414 = arith.constant 0 : i32
      %dma_wait3A_415 = tpu.memref_slice %arg30[%add3A_37, %dma_wait3A_414] : memref<10112x128xf32, #tpu.memory_space<vmem_shared>> -> memref<32x128xf32, #tpu.memory_space<vmem_shared>>
      tpu.wait_dma2 semaphore(%run_scoped3A : memref<!tpu.dma_semaphore, #tpu.memory_space<semaphore_mem>>) src(%arg22 : memref<32x128xf32, #tpu.memory_space<vmem>>) dst(%dma_wait3A_415 : memref<32x128xf32, #tpu.memory_space<vmem_shared>>)
      tpu.yield
    }) : () -> ()
    %add3A_38 = arith.constant 512 : i32
    %add3A_39 = arith.addi %mul3A_6, %add3A_38 : i32
    "tpu.region"() ({
      %run_scoped3A = tpu.sem_alloc : memref<!tpu.dma_semaphore, #tpu.memory_space<semaphore_mem>>
      %dma_start3A_408 = arith.constant 0 : i32
      %dma_start3A_409 = tpu.memref_slice %arg30[%add3A_39, %dma_start3A_408] : memref<10112x128xf32, #tpu.memory_space<vmem_shared>> -> memref<32x128xf32, #tpu.memory_space<vmem_shared>>
      %dma_start3A_410 = arith.constant 0 : i32
      %dma_start3A_411 = tpu.memref_slice %arg30[%add3A_39, %dma_start3A_410] : memref<10112x128xf32, #tpu.memory_space<vmem_shared>> -> memref<32x128xf32, #tpu.memory_space<vmem_shared>>
      tpu.enqueue_dma source(%arg22 : memref<32x128xf32, #tpu.memory_space<vmem>>) target(%dma_start3A_411 : memref<32x128xf32, #tpu.memory_space<vmem_shared>>) target_semaphore(%run_scoped3A : memref<!tpu.dma_semaphore, #tpu.memory_space<semaphore_mem>>)
      %dma_wait3A_412 = arith.constant 0 : i32
      %dma_wait3A_413 = tpu.memref_slice %arg30[%add3A_39, %dma_wait3A_412] : memref<10112x128xf32, #tpu.memory_space<vmem_shared>> -> memref<32x128xf32, #tpu.memory_space<vmem_shared>>
      %dma_wait3A_414 = arith.constant 0 : i32
      %dma_wait3A_415 = tpu.memref_slice %arg30[%add3A_39, %dma_wait3A_414] : memref<10112x128xf32, #tpu.memory_space<vmem_shared>> -> memref<32x128xf32, #tpu.memory_space<vmem_shared>>
      tpu.wait_dma2 semaphore(%run_scoped3A : memref<!tpu.dma_semaphore, #tpu.memory_space<semaphore_mem>>) src(%arg22 : memref<32x128xf32, #tpu.memory_space<vmem>>) dst(%dma_wait3A_415 : memref<32x128xf32, #tpu.memory_space<vmem_shared>>)
      tpu.yield
    }) : () -> ()
    %add3A_40 = arith.constant 544 : i32
    %add3A_41 = arith.addi %mul3A_6, %add3A_40 : i32
    "tpu.region"() ({
      %run_scoped3A = tpu.sem_alloc : memref<!tpu.dma_semaphore, #tpu.memory_space<semaphore_mem>>
      %dma_start3A_408 = arith.constant 0 : i32
      %dma_start3A_409 = tpu.memref_slice %arg30[%add3A_41, %dma_start3A_408] : memref<10112x128xf32, #tpu.memory_space<vmem_shared>> -> memref<32x128xf32, #tpu.memory_space<vmem_shared>>
      %dma_start3A_410 = arith.constant 0 : i32
      %dma_start3A_411 = tpu.memref_slice %arg30[%add3A_41, %dma_start3A_410] : memref<10112x128xf32, #tpu.memory_space<vmem_shared>> -> memref<32x128xf32, #tpu.memory_space<vmem_shared>>
      tpu.enqueue_dma source(%arg22 : memref<32x128xf32, #tpu.memory_space<vmem>>) target(%dma_start3A_411 : memref<32x128xf32, #tpu.memory_space<vmem_shared>>) target_semaphore(%run_scoped3A : memref<!tpu.dma_semaphore, #tpu.memory_space<semaphore_mem>>)
      %dma_wait3A_412 = arith.constant 0 : i32
      %dma_wait3A_413 = tpu.memref_slice %arg30[%add3A_41, %dma_wait3A_412] : memref<10112x128xf32, #tpu.memory_space<vmem_shared>> -> memref<32x128xf32, #tpu.memory_space<vmem_shared>>
      %dma_wait3A_414 = arith.constant 0 : i32
      %dma_wait3A_415 = tpu.memref_slice %arg30[%add3A_41, %dma_wait3A_414] : memref<10112x128xf32, #tpu.memory_space<vmem_shared>> -> memref<32x128xf32, #tpu.memory_space<vmem_shared>>
      tpu.wait_dma2 semaphore(%run_scoped3A : memref<!tpu.dma_semaphore, #tpu.memory_space<semaphore_mem>>) src(%arg22 : memref<32x128xf32, #tpu.memory_space<vmem>>) dst(%dma_wait3A_415 : memref<32x128xf32, #tpu.memory_space<vmem_shared>>)
      tpu.yield
    }) : () -> ()
    %add3A_42 = arith.constant 576 : i32
    %add3A_43 = arith.addi %mul3A_6, %add3A_42 : i32
    "tpu.region"() ({
      %run_scoped3A = tpu.sem_alloc : memref<!tpu.dma_semaphore, #tpu.memory_space<semaphore_mem>>
      %dma_start3A_408 = arith.constant 0 : i32
      %dma_start3A_409 = tpu.memref_slice %arg30[%add3A_43, %dma_start3A_408] : memref<10112x128xf32, #tpu.memory_space<vmem_shared>> -> memref<32x128xf32, #tpu.memory_space<vmem_shared>>
      %dma_start3A_410 = arith.constant 0 : i32
      %dma_start3A_411 = tpu.memref_slice %arg30[%add3A_43, %dma_start3A_410] : memref<10112x128xf32, #tpu.memory_space<vmem_shared>> -> memref<32x128xf32, #tpu.memory_space<vmem_shared>>
      tpu.enqueue_dma source(%arg22 : memref<32x128xf32, #tpu.memory_space<vmem>>) target(%dma_start3A_411 : memref<32x128xf32, #tpu.memory_space<vmem_shared>>) target_semaphore(%run_scoped3A : memref<!tpu.dma_semaphore, #tpu.memory_space<semaphore_mem>>)
      %dma_wait3A_412 = arith.constant 0 : i32
      %dma_wait3A_413 = tpu.memref_slice %arg30[%add3A_43, %dma_wait3A_412] : memref<10112x128xf32, #tpu.memory_space<vmem_shared>> -> memref<32x128xf32, #tpu.memory_space<vmem_shared>>
      %dma_wait3A_414 = arith.constant 0 : i32
      %dma_wait3A_415 = tpu.memref_slice %arg30[%add3A_43, %dma_wait3A_414] : memref<10112x128xf32, #tpu.memory_space<vmem_shared>> -> memref<32x128xf32, #tpu.memory_space<vmem_shared>>
      tpu.wait_dma2 semaphore(%run_scoped3A : memref<!tpu.dma_semaphore, #tpu.memory_space<semaphore_mem>>) src(%arg22 : memref<32x128xf32, #tpu.memory_space<vmem>>) dst(%dma_wait3A_415 : memref<32x128xf32, #tpu.memory_space<vmem_shared>>)
      tpu.yield
    }) : () -> ()
    %add3A_44 = arith.constant 608 : i32
    %add3A_45 = arith.addi %mul3A_6, %add3A_44 : i32
    "tpu.region"() ({
      %run_scoped3A = tpu.sem_alloc : memref<!tpu.dma_semaphore, #tpu.memory_space<semaphore_mem>>
      %dma_start3A_408 = arith.constant 0 : i32
      %dma_start3A_409 = arith.constant 0 : i32
      %dma_start3A_410 = tpu.memref_slice %arg22[%dma_start3A_408, %dma_start3A_409] : memref<32x128xf32, #tpu.memory_space<vmem>> -> memref<24x128xf32, #tpu.memory_space<vmem>>
      %dma_start3A_411 = arith.constant 0 : i32
      %dma_start3A_412 = tpu.memref_slice %arg30[%add3A_45, %dma_start3A_411] : memref<10112x128xf32, #tpu.memory_space<vmem_shared>> -> memref<24x128xf32, #tpu.memory_space<vmem_shared>>
      %dma_start3A_413 = arith.constant 0 : i32
      %dma_start3A_414 = tpu.memref_slice %arg30[%add3A_45, %dma_start3A_413] : memref<10112x128xf32, #tpu.memory_space<vmem_shared>> -> memref<24x128xf32, #tpu.memory_space<vmem_shared>>
      %dma_start3A_415 = arith.constant 0 : i32
      %dma_start3A_416 = arith.constant 0 : i32
      %dma_start3A_417 = tpu.memref_slice %arg22[%dma_start3A_415, %dma_start3A_416] : memref<32x128xf32, #tpu.memory_space<vmem>> -> memref<24x128xf32, #tpu.memory_space<vmem>>
      tpu.enqueue_dma source(%dma_start3A_417 : memref<24x128xf32, #tpu.memory_space<vmem>>) target(%dma_start3A_414 : memref<24x128xf32, #tpu.memory_space<vmem_shared>>) target_semaphore(%run_scoped3A : memref<!tpu.dma_semaphore, #tpu.memory_space<semaphore_mem>>)
      %dma_wait3A_418 = arith.constant 0 : i32
      %dma_wait3A_419 = arith.constant 0 : i32
      %dma_wait3A_420 = tpu.memref_slice %arg22[%dma_wait3A_418, %dma_wait3A_419] : memref<32x128xf32, #tpu.memory_space<vmem>> -> memref<24x128xf32, #tpu.memory_space<vmem>>
      %dma_wait3A_421 = arith.constant 0 : i32
      %dma_wait3A_422 = tpu.memref_slice %arg30[%add3A_45, %dma_wait3A_421] : memref<10112x128xf32, #tpu.memory_space<vmem_shared>> -> memref<24x128xf32, #tpu.memory_space<vmem_shared>>
      %dma_wait3A_423 = arith.constant 0 : i32
      %dma_wait3A_424 = tpu.memref_slice %arg30[%add3A_45, %dma_wait3A_423] : memref<10112x128xf32, #tpu.memory_space<vmem_shared>> -> memref<24x128xf32, #tpu.memory_space<vmem_shared>>
      %dma_wait3A_425 = arith.constant 0 : i32
      %dma_wait3A_426 = arith.constant 0 : i32
      %dma_wait3A_427 = tpu.memref_slice %arg22[%dma_wait3A_425, %dma_wait3A_426] : memref<32x128xf32, #tpu.memory_space<vmem>> -> memref<24x128xf32, #tpu.memory_space<vmem>>
      tpu.wait_dma2 semaphore(%run_scoped3A : memref<!tpu.dma_semaphore, #tpu.memory_space<semaphore_mem>>) src(%dma_wait3A_427 : memref<24x128xf32, #tpu.memory_space<vmem>>) dst(%dma_wait3A_424 : memref<24x128xf32, #tpu.memory_space<vmem_shared>>)
      tpu.yield
    }) : () -> ()
    %get3A = arith.constant 0 : i32
    %get3A_46 = arith.index_cast %get3A : i32 to index
    %get3A_47 = arith.constant 0 : index
    %get3A_48 = tpu.vector_load %arg5[%get3A_46, %get3A_47] {strides = array<i32>} : memref<80x128xi32, #tpu.memory_space<vmem>>, vector<1x16xi32>,
    %get3A_49 = vector.shape_cast %get3A_48 : vector<1x16xi32> to vector<16xi32>
    %and3A = arith.constant 65535 : i32
    %and3A_50 = vector.broadcast %and3A : i32 to vector<16xi32>
    %and3A_51 = arith.andi %get3A_49, %and3A_50 : vector<16xi32>
    %swap3A = arith.constant 0 : index
    %swap3A_52 = tpu.vector_load %arg6[%swap3A] {strides = array<i32>} : memref<32xi32, #tpu.memory_space<vmem>>, vector<16xi32>,
    %swap3A_53 = vector.shape_cast %swap3A_52 : vector<16xi32> to vector<16xi32>
    %swap3A_54 = vector.shape_cast %and3A_51 : vector<16xi32> to vector<16xi32>
    tpu.vector_store %arg6[%swap3A], %swap3A_54 {strides = array<i32>} : memref<32xi32, #tpu.memory_space<vmem>>, vector<16xi32>,
    %shift_right_logical3A = arith.constant 16 : i32
    %shift_right_logical3A_55 = vector.broadcast %shift_right_logical3A : i32 to vector<16xi32>
    %shift_right_logical3A_56 = arith.shrui %get3A_49, %shift_right_logical3A_55 : vector<16xi32>
    %swap3A_57 = arith.constant 0 : index
    %swap3A_58 = tpu.vector_load %arg7[%swap3A_57] {strides = array<i32>} : memref<32xi32, #tpu.memory_space<vmem>>, vector<16xi32>,
    %swap3A_59 = vector.shape_cast %swap3A_58 : vector<16xi32> to vector<16xi32>
    %swap3A_60 = vector.shape_cast %shift_right_logical3A_56 : vector<16xi32> to vector<16xi32>
    tpu.vector_store %arg7[%swap3A_57], %swap3A_60 {strides = array<i32>} : memref<32xi32, #tpu.memory_space<vmem>>, vector<16xi32>,
    %get3A_61 = arith.constant 0 : i32
    %get3A_62 = arith.index_cast %get3A_61 : i32 to index
    %get3A_63 = arith.constant 16 : index
    %get3A_64 = tpu.vector_load %arg5[%get3A_62, %get3A_63] {strides = array<i32>} : memref<80x128xi32, #tpu.memory_space<vmem>>, vector<1x16xi32>,
    %get3A_65 = vector.shape_cast %get3A_64 : vector<1x16xi32> to vector<16xi32>
    %and3A_66 = arith.constant 65535 : i32
    %and3A_67 = vector.broadcast %and3A_66 : i32 to vector<16xi32>
    %and3A_68 = arith.andi %get3A_65, %and3A_67 : vector<16xi32>
    %swap3A_69 = arith.constant 16 : index
    %swap3A_70 = tpu.vector_load %arg6[%swap3A_69] {strides = array<i32>} : memref<32xi32, #tpu.memory_space<vmem>>, vector<16xi32>,
    %swap3A_71 = vector.shape_cast %swap3A_70 : vector<16xi32> to vector<16xi32>
    %swap3A_72 = vector.shape_cast %and3A_68 : vector<16xi32> to vector<16xi32>
    tpu.vector_store %arg6[%swap3A_69], %swap3A_72 {strides = array<i32>} : memref<32xi32, #tpu.memory_space<vmem>>, vector<16xi32>,
    %shift_right_logical3A_73 = arith.constant 16 : i32
    %shift_right_logical3A_74 = vector.broadcast %shift_right_logical3A_73 : i32 to vector<16xi32>
    %shift_right_logical3A_75 = arith.shrui %get3A_65, %shift_right_logical3A_74 : vector<16xi32>
    %swap3A_76 = arith.constant 16 : index
    %swap3A_77 = tpu.vector_load %arg7[%swap3A_76] {strides = array<i32>} : memref<32xi32, #tpu.memory_space<vmem>>, vector<16xi32>,
    %swap3A_78 = vector.shape_cast %swap3A_77 : vector<16xi32> to vector<16xi32>
    %swap3A_79 = vector.shape_cast %shift_right_logical3A_75 : vector<16xi32> to vector<16xi32>
    tpu.vector_store %arg7[%swap3A_76], %swap3A_79 {strides = array<i32>} : memref<32xi32, #tpu.memory_space<vmem>>, vector<16xi32>,
    %dma_start3A = arith.constant 0 : i32
    %dma_start3A_80 = arith.constant 0 : i32
    %dma_start3A_81 = tpu.memref_slice %arg3[%dma_start3A, %dma_start3A_80] : memref<20000x128xf32, #tpu.memory_space<hbm>> -> memref<20000x128xf32, #tpu.memory_space<hbm>>
    tpu.enqueue_indirect_dma source(%dma_start3A_81 : memref<20000x128xf32, #tpu.memory_space<hbm>>) target(%arg22 : memref<32x128xf32, #tpu.memory_space<vmem>>) offsets(%arg6 : memref<32xi32, #tpu.memory_space<vmem>>) semaphore(%arg31 : memref<!tpu.dma_semaphore, #tpu.memory_space<semaphore_mem>>)
    %get3A_82 = arith.constant 0 : i32
    %get3A_83 = arith.index_cast %get3A_82 : i32 to index
    %get3A_84 = arith.constant 32 : index
    %get3A_85 = tpu.vector_load %arg5[%get3A_83, %get3A_84] {strides = array<i32>} : memref<80x128xi32, #tpu.memory_space<vmem>>, vector<1x16xi32>,
    %get3A_86 = vector.shape_cast %get3A_85 : vector<1x16xi32> to vector<16xi32>
    %and3A_87 = arith.constant 65535 : i32
    %and3A_88 = vector.broadcast %and3A_87 : i32 to vector<16xi32>
    %and3A_89 = arith.andi %get3A_86, %and3A_88 : vector<16xi32>
    %swap3A_90 = arith.constant 0 : index
    %swap3A_91 = tpu.vector_load %arg8[%swap3A_90] {strides = array<i32>} : memref<32xi32, #tpu.memory_space<vmem>>, vector<16xi32>,
    %swap3A_92 = vector.shape_cast %swap3A_91 : vector<16xi32> to vector<16xi32>
    %swap3A_93 = vector.shape_cast %and3A_89 : vector<16xi32> to vector<16xi32>
    tpu.vector_store %arg8[%swap3A_90], %swap3A_93 {strides = array<i32>} : memref<32xi32, #tpu.memory_space<vmem>>, vector<16xi32>,
    %shift_right_logical3A_94 = arith.constant 16 : i32
    %shift_right_logical3A_95 = vector.broadcast %shift_right_logical3A_94 : i32 to vector<16xi32>
    %shift_right_logical3A_96 = arith.shrui %get3A_86, %shift_right_logical3A_95 : vector<16xi32>
    %swap3A_97 = arith.constant 0 : index
    %swap3A_98 = tpu.vector_load %arg9[%swap3A_97] {strides = array<i32>} : memref<32xi32, #tpu.memory_space<vmem>>, vector<16xi32>,
    %swap3A_99 = vector.shape_cast %swap3A_98 : vector<16xi32> to vector<16xi32>
    %swap3A_100 = vector.shape_cast %shift_right_logical3A_96 : vector<16xi32> to vector<16xi32>
    tpu.vector_store %arg9[%swap3A_97], %swap3A_100 {strides = array<i32>} : memref<32xi32, #tpu.memory_space<vmem>>, vector<16xi32>,
    %get3A_101 = arith.constant 0 : i32
    %get3A_102 = arith.index_cast %get3A_101 : i32 to index
    %get3A_103 = arith.constant 48 : index
    %get3A_104 = tpu.vector_load %arg5[%get3A_102, %get3A_103] {strides = array<i32>} : memref<80x128xi32, #tpu.memory_space<vmem>>, vector<1x16xi32>,
    %get3A_105 = vector.shape_cast %get3A_104 : vector<1x16xi32> to vector<16xi32>
    %and3A_106 = arith.constant 65535 : i32
    %and3A_107 = vector.broadcast %and3A_106 : i32 to vector<16xi32>
    %and3A_108 = arith.andi %get3A_105, %and3A_107 : vector<16xi32>
    %swap3A_109 = arith.constant 16 : index
    %swap3A_110 = tpu.vector_load %arg8[%swap3A_109] {strides = array<i32>} : memref<32xi32, #tpu.memory_space<vmem>>, vector<16xi32>,
    %swap3A_111 = vector.shape_cast %swap3A_110 : vector<16xi32> to vector<16xi32>
    %swap3A_112 = vector.shape_cast %and3A_108 : vector<16xi32> to vector<16xi32>
    tpu.vector_store %arg8[%swap3A_109], %swap3A_112 {strides = array<i32>} : memref<32xi32, #tpu.memory_space<vmem>>, vector<16xi32>,
    %shift_right_logical3A_113 = arith.constant 16 : i32
    %shift_right_logical3A_114 = vector.broadcast %shift_right_logical3A_113 : i32 to vector<16xi32>
    %shift_right_logical3A_115 = arith.shrui %get3A_105, %shift_right_logical3A_114 : vector<16xi32>
    %swap3A_116 = arith.constant 16 : index
    %swap3A_117 = tpu.vector_load %arg9[%swap3A_116] {strides = array<i32>} : memref<32xi32, #tpu.memory_space<vmem>>, vector<16xi32>,
    %swap3A_118 = vector.shape_cast %swap3A_117 : vector<16xi32> to vector<16xi32>
    %swap3A_119 = vector.shape_cast %shift_right_logical3A_115 : vector<16xi32> to vector<16xi32>
    tpu.vector_store %arg9[%swap3A_116], %swap3A_119 {strides = array<i32>} : memref<32xi32, #tpu.memory_space<vmem>>, vector<16xi32>,
    %dma_start3A_120 = arith.constant 0 : i32
    %dma_start3A_121 = arith.constant 0 : i32
    %dma_start3A_122 = tpu.memref_slice %arg3[%dma_start3A_120, %dma_start3A_121] : memref<20000x128xf32, #tpu.memory_space<hbm>> -> memref<20000x128xf32, #tpu.memory_space<hbm>>
    tpu.enqueue_indirect_dma source(%dma_start3A_122 : memref<20000x128xf32, #tpu.memory_space<hbm>>) target(%arg23 : memref<32x128xf32, #tpu.memory_space<vmem>>) offsets(%arg8 : memref<32xi32, #tpu.memory_space<vmem>>) semaphore(%arg32 : memref<!tpu.dma_semaphore, #tpu.memory_space<semaphore_mem>>)
    %get3A_123 = arith.constant 0 : i32
    %get3A_124 = arith.index_cast %get3A_123 : i32 to index
    %get3A_125 = arith.constant 64 : index
    %get3A_126 = tpu.vector_load %arg5[%get3A_124, %get3A_125] {strides = array<i32>} : memref<80x128xi32, #tpu.memory_space<vmem>>, vector<1x16xi32>,
    %get3A_127 = vector.shape_cast %get3A_126 : vector<1x16xi32> to vector<16xi32>
    %and3A_128 = arith.constant 65535 : i32
    %and3A_129 = vector.broadcast %and3A_128 : i32 to vector<16xi32>
    %and3A_130 = arith.andi %get3A_127, %and3A_129 : vector<16xi32>
    %swap3A_131 = arith.constant 0 : index
    %swap3A_132 = tpu.vector_load %arg10[%swap3A_131] {strides = array<i32>} : memref<32xi32, #tpu.memory_space<vmem>>, vector<16xi32>,
    %swap3A_133 = vector.shape_cast %swap3A_132 : vector<16xi32> to vector<16xi32>
    %swap3A_134 = vector.shape_cast %and3A_130 : vector<16xi32> to vector<16xi32>
    tpu.vector_store %arg10[%swap3A_131], %swap3A_134 {strides = array<i32>} : memref<32xi32, #tpu.memory_space<vmem>>, vector<16xi32>,
    %shift_right_logical3A_135 = arith.constant 16 : i32
    %shift_right_logical3A_136 = vector.broadcast %shift_right_logical3A_135 : i32 to vector<16xi32>
    %shift_right_logical3A_137 = arith.shrui %get3A_127, %shift_right_logical3A_136 : vector<16xi32>
    %swap3A_138 = arith.constant 0 : index
    %swap3A_139 = tpu.vector_load %arg11[%swap3A_138] {strides = array<i32>} : memref<32xi32, #tpu.memory_space<vmem>>, vector<16xi32>,
    %swap3A_140 = vector.shape_cast %swap3A_139 : vector<16xi32> to vector<16xi32>
    %swap3A_141 = vector.shape_cast %shift_right_logical3A_137 : vector<16xi32> to vector<16xi32>
    tpu.vector_store %arg11[%swap3A_138], %swap3A_141 {strides = array<i32>} : memref<32xi32, #tpu.memory_space<vmem>>, vector<16xi32>,
    %get3A_142 = arith.constant 0 : i32
    %get3A_143 = arith.index_cast %get3A_142 : i32 to index
    %get3A_144 = arith.constant 80 : index
    %get3A_145 = tpu.vector_load %arg5[%get3A_143, %get3A_144] {strides = array<i32>} : memref<80x128xi32, #tpu.memory_space<vmem>>, vector<1x16xi32>,
    %get3A_146 = vector.shape_cast %get3A_145 : vector<1x16xi32> to vector<16xi32>
    %and3A_147 = arith.constant 65535 : i32
    %and3A_148 = vector.broadcast %and3A_147 : i32 to vector<16xi32>
    %and3A_149 = arith.andi %get3A_146, %and3A_148 : vector<16xi32>
    %swap3A_150 = arith.constant 16 : index
    %swap3A_151 = tpu.vector_load %arg10[%swap3A_150] {strides = array<i32>} : memref<32xi32, #tpu.memory_space<vmem>>, vector<16xi32>,
    %swap3A_152 = vector.shape_cast %swap3A_151 : vector<16xi32> to vector<16xi32>
    %swap3A_153 = vector.shape_cast %and3A_149 : vector<16xi32> to vector<16xi32>
    tpu.vector_store %arg10[%swap3A_150], %swap3A_153 {strides = array<i32>} : memref<32xi32, #tpu.memory_space<vmem>>, vector<16xi32>,
    %shift_right_logical3A_154 = arith.constant 16 : i32
    %shift_right_logical3A_155 = vector.broadcast %shift_right_logical3A_154 : i32 to vector<16xi32>
    %shift_right_logical3A_156 = arith.shrui %get3A_146, %shift_right_logical3A_155 : vector<16xi32>
    %swap3A_157 = arith.constant 16 : index
    %swap3A_158 = tpu.vector_load %arg11[%swap3A_157] {strides = array<i32>} : memref<32xi32, #tpu.memory_space<vmem>>, vector<16xi32>,
    %swap3A_159 = vector.shape_cast %swap3A_158 : vector<16xi32> to vector<16xi32>
    %swap3A_160 = vector.shape_cast %shift_right_logical3A_156 : vector<16xi32> to vector<16xi32>
    tpu.vector_store %arg11[%swap3A_157], %swap3A_160 {strides = array<i32>} : memref<32xi32, #tpu.memory_space<vmem>>, vector<16xi32>,
    %dma_start3A_161 = arith.constant 0 : i32
    %dma_start3A_162 = arith.constant 0 : i32
    %dma_start3A_163 = tpu.memref_slice %arg3[%dma_start3A_161, %dma_start3A_162] : memref<20000x128xf32, #tpu.memory_space<hbm>> -> memref<20000x128xf32, #tpu.memory_space<hbm>>
    tpu.enqueue_indirect_dma source(%dma_start3A_163 : memref<20000x128xf32, #tpu.memory_space<hbm>>) target(%arg24 : memref<32x128xf32, #tpu.memory_space<vmem>>) offsets(%arg10 : memref<32xi32, #tpu.memory_space<vmem>>) semaphore(%arg33 : memref<!tpu.dma_semaphore, #tpu.memory_space<semaphore_mem>>)
    %get3A_164 = arith.constant 0 : i32
    %get3A_165 = arith.index_cast %get3A_164 : i32 to index
    %get3A_166 = arith.constant 96 : index
    %get3A_167 = tpu.vector_load %arg5[%get3A_165, %get3A_166] {strides = array<i32>} : memref<80x128xi32, #tpu.memory_space<vmem>>, vector<1x16xi32>,
    %get3A_168 = vector.shape_cast %get3A_167 : vector<1x16xi32> to vector<16xi32>
    %and3A_169 = arith.constant 65535 : i32
    %and3A_170 = vector.broadcast %and3A_169 : i32 to vector<16xi32>
    %and3A_171 = arith.andi %get3A_168, %and3A_170 : vector<16xi32>
    %swap3A_172 = arith.constant 0 : index
    %swap3A_173 = tpu.vector_load %arg12[%swap3A_172] {strides = array<i32>} : memref<32xi32, #tpu.memory_space<vmem>>, vector<16xi32>,
    %swap3A_174 = vector.shape_cast %swap3A_173 : vector<16xi32> to vector<16xi32>
    %swap3A_175 = vector.shape_cast %and3A_171 : vector<16xi32> to vector<16xi32>
    tpu.vector_store %arg12[%swap3A_172], %swap3A_175 {strides = array<i32>} : memref<32xi32, #tpu.memory_space<vmem>>, vector<16xi32>,
    %shift_right_logical3A_176 = arith.constant 16 : i32
    %shift_right_logical3A_177 = vector.broadcast %shift_right_logical3A_176 : i32 to vector<16xi32>
    %shift_right_logical3A_178 = arith.shrui %get3A_168, %shift_right_logical3A_177 : vector<16xi32>
    %swap3A_179 = arith.constant 0 : index
    %swap3A_180 = tpu.vector_load %arg13[%swap3A_179] {strides = array<i32>} : memref<32xi32, #tpu.memory_space<vmem>>, vector<16xi32>,
    %swap3A_181 = vector.shape_cast %swap3A_180 : vector<16xi32> to vector<16xi32>
    %swap3A_182 = vector.shape_cast %shift_right_logical3A_178 : vector<16xi32> to vector<16xi32>
    tpu.vector_store %arg13[%swap3A_179], %swap3A_182 {strides = array<i32>} : memref<32xi32, #tpu.memory_space<vmem>>, vector<16xi32>,
    %get3A_183 = arith.constant 0 : i32
    %get3A_184 = arith.index_cast %get3A_183 : i32 to index
    %get3A_185 = arith.constant 112 : index
    %get3A_186 = tpu.vector_load %arg5[%get3A_184, %get3A_185] {strides = array<i32>} : memref<80x128xi32, #tpu.memory_space<vmem>>, vector<1x16xi32>,
    %get3A_187 = vector.shape_cast %get3A_186 : vector<1x16xi32> to vector<16xi32>
    %and3A_188 = arith.constant 65535 : i32
    %and3A_189 = vector.broadcast %and3A_188 : i32 to vector<16xi32>
    %and3A_190 = arith.andi %get3A_187, %and3A_189 : vector<16xi32>
    %swap3A_191 = arith.constant 16 : index
    %swap3A_192 = tpu.vector_load %arg12[%swap3A_191] {strides = array<i32>} : memref<32xi32, #tpu.memory_space<vmem>>, vector<16xi32>,
    %swap3A_193 = vector.shape_cast %swap3A_192 : vector<16xi32> to vector<16xi32>
    %swap3A_194 = vector.shape_cast %and3A_190 : vector<16xi32> to vector<16xi32>
    tpu.vector_store %arg12[%swap3A_191], %swap3A_194 {strides = array<i32>} : memref<32xi32, #tpu.memory_space<vmem>>, vector<16xi32>,
    %shift_right_logical3A_195 = arith.constant 16 : i32
    %shift_right_logical3A_196 = vector.broadcast %shift_right_logical3A_195 : i32 to vector<16xi32>
    %shift_right_logical3A_197 = arith.shrui %get3A_187, %shift_right_logical3A_196 : vector<16xi32>
    %swap3A_198 = arith.constant 16 : index
    %swap3A_199 = tpu.vector_load %arg13[%swap3A_198] {strides = array<i32>} : memref<32xi32, #tpu.memory_space<vmem>>, vector<16xi32>,
    %swap3A_200 = vector.shape_cast %swap3A_199 : vector<16xi32> to vector<16xi32>
    %swap3A_201 = vector.shape_cast %shift_right_logical3A_197 : vector<16xi32> to vector<16xi32>
    tpu.vector_store %arg13[%swap3A_198], %swap3A_201 {strides = array<i32>} : memref<32xi32, #tpu.memory_space<vmem>>, vector<16xi32>,
    %dma_start3A_202 = arith.constant 0 : i32
    %dma_start3A_203 = arith.constant 0 : i32
    %dma_start3A_204 = tpu.memref_slice %arg3[%dma_start3A_202, %dma_start3A_203] : memref<20000x128xf32, #tpu.memory_space<hbm>> -> memref<20000x128xf32, #tpu.memory_space<hbm>>
    tpu.enqueue_indirect_dma source(%dma_start3A_204 : memref<20000x128xf32, #tpu.memory_space<hbm>>) target(%arg25 : memref<32x128xf32, #tpu.memory_space<vmem>>) offsets(%arg12 : memref<32xi32, #tpu.memory_space<vmem>>) semaphore(%arg34 : memref<!tpu.dma_semaphore, #tpu.memory_space<semaphore_mem>>)
    %get3A_205 = arith.constant 1 : i32
    %get3A_206 = arith.index_cast %get3A_205 : i32 to index
    %get3A_207 = arith.constant 0 : index
    %get3A_208 = tpu.vector_load %arg5[%get3A_206, %get3A_207] {strides = array<i32>} : memref<80x128xi32, #tpu.memory_space<vmem>>, vector<1x16xi32>,
    %get3A_209 = vector.shape_cast %get3A_208 : vector<1x16xi32> to vector<16xi32>
    %and3A_210 = arith.constant 65535 : i32
    %and3A_211 = vector.broadcast %and3A_210 : i32 to vector<16xi32>
    %and3A_212 = arith.andi %get3A_209, %and3A_211 : vector<16xi32>
    %swap3A_213 = arith.constant 0 : index
    %swap3A_214 = tpu.vector_load %arg14[%swap3A_213] {strides = array<i32>} : memref<32xi32, #tpu.memory_space<vmem>>, vector<16xi32>,
    %swap3A_215 = vector.shape_cast %swap3A_214 : vector<16xi32> to vector<16xi32>
    %swap3A_216 = vector.shape_cast %and3A_212 : vector<16xi32> to vector<16xi32>
    tpu.vector_store %arg14[%swap3A_213], %swap3A_216 {strides = array<i32>} : memref<32xi32, #tpu.memory_space<vmem>>, vector<16xi32>,
    %shift_right_logical3A_217 = arith.constant 16 : i32
    %shift_right_logical3A_218 = vector.broadcast %shift_right_logical3A_217 : i32 to vector<16xi32>
    %shift_right_logical3A_219 = arith.shrui %get3A_209, %shift_right_logical3A_218 : vector<16xi32>
    %swap3A_220 = arith.constant 0 : index
    %swap3A_221 = tpu.vector_load %arg15[%swap3A_220] {strides = array<i32>} : memref<32xi32, #tpu.memory_space<vmem>>, vector<16xi32>,
    %swap3A_222 = vector.shape_cast %swap3A_221 : vector<16xi32> to vector<16xi32>
    %swap3A_223 = vector.shape_cast %shift_right_logical3A_219 : vector<16xi32> to vector<16xi32>
    tpu.vector_store %arg15[%swap3A_220], %swap3A_223 {strides = array<i32>} : memref<32xi32, #tpu.memory_space<vmem>>, vector<16xi32>,
    %get3A_224 = arith.constant 1 : i32
    %get3A_225 = arith.index_cast %get3A_224 : i32 to index
    %get3A_226 = arith.constant 16 : index
    %get3A_227 = tpu.vector_load %arg5[%get3A_225, %get3A_226] {strides = array<i32>} : memref<80x128xi32, #tpu.memory_space<vmem>>, vector<1x16xi32>,
    %get3A_228 = vector.shape_cast %get3A_227 : vector<1x16xi32> to vector<16xi32>
    %and3A_229 = arith.constant 65535 : i32
    %and3A_230 = vector.broadcast %and3A_229 : i32 to vector<16xi32>
    %and3A_231 = arith.andi %get3A_228, %and3A_230 : vector<16xi32>
    %swap3A_232 = arith.constant 16 : index
    %swap3A_233 = tpu.vector_load %arg14[%swap3A_232] {strides = array<i32>} : memref<32xi32, #tpu.memory_space<vmem>>, vector<16xi32>,
    %swap3A_234 = vector.shape_cast %swap3A_233 : vector<16xi32> to vector<16xi32>
    %swap3A_235 = vector.shape_cast %and3A_231 : vector<16xi32> to vector<16xi32>
    tpu.vector_store %arg14[%swap3A_232], %swap3A_235 {strides = array<i32>} : memref<32xi32, #tpu.memory_space<vmem>>, vector<16xi32>,
    %shift_right_logical3A_236 = arith.constant 16 : i32
    %shift_right_logical3A_237 = vector.broadcast %shift_right_logical3A_236 : i32 to vector<16xi32>
    %shift_right_logical3A_238 = arith.shrui %get3A_228, %shift_right_logical3A_237 : vector<16xi32>
    %swap3A_239 = arith.constant 16 : index
    %swap3A_240 = tpu.vector_load %arg15[%swap3A_239] {strides = array<i32>} : memref<32xi32, #tpu.memory_space<vmem>>, vector<16xi32>,
    %swap3A_241 = vector.shape_cast %swap3A_240 : vector<16xi32> to vector<16xi32>
    %swap3A_242 = vector.shape_cast %shift_right_logical3A_238 : vector<16xi32> to vector<16xi32>
    tpu.vector_store %arg15[%swap3A_239], %swap3A_242 {strides = array<i32>} : memref<32xi32, #tpu.memory_space<vmem>>, vector<16xi32>,
    %dma_start3A_243 = arith.constant 0 : i32
    %dma_start3A_244 = arith.constant 0 : i32
    %dma_start3A_245 = tpu.memref_slice %arg3[%dma_start3A_243, %dma_start3A_244] : memref<20000x128xf32, #tpu.memory_space<hbm>> -> memref<20000x128xf32, #tpu.memory_space<hbm>>
    tpu.enqueue_indirect_dma source(%dma_start3A_245 : memref<20000x128xf32, #tpu.memory_space<hbm>>) target(%arg26 : memref<32x128xf32, #tpu.memory_space<vmem>>) offsets(%arg14 : memref<32xi32, #tpu.memory_space<vmem>>) semaphore(%arg35 : memref<!tpu.dma_semaphore, #tpu.memory_space<semaphore_mem>>)
    %get3A_246 = arith.constant 1 : i32
    %get3A_247 = arith.index_cast %get3A_246 : i32 to index
    %get3A_248 = arith.constant 32 : index
    %get3A_249 = tpu.vector_load %arg5[%get3A_247, %get3A_248] {strides = array<i32>} : memref<80x128xi32, #tpu.memory_space<vmem>>, vector<1x16xi32>,
    %get3A_250 = vector.shape_cast %get3A_249 : vector<1x16xi32> to vector<16xi32>
    %and3A_251 = arith.constant 65535 : i32
    %and3A_252 = vector.broadcast %and3A_251 : i32 to vector<16xi32>
    %and3A_253 = arith.andi %get3A_250, %and3A_252 : vector<16xi32>
    %swap3A_254 = arith.constant 0 : index
    %swap3A_255 = tpu.vector_load %arg16[%swap3A_254] {strides = array<i32>} : memref<32xi32, #tpu.memory_space<vmem>>, vector<16xi32>,
    %swap3A_256 = vector.shape_cast %swap3A_255 : vector<16xi32> to vector<16xi32>
    %swap3A_257 = vector.shape_cast %and3A_253 : vector<16xi32> to vector<16xi32>
    tpu.vector_store %arg16[%swap3A_254], %swap3A_257 {strides = array<i32>} : memref<32xi32, #tpu.memory_space<vmem>>, vector<16xi32>,
    %shift_right_logical3A_258 = arith.constant 16 : i32
    %shift_right_logical3A_259 = vector.broadcast %shift_right_logical3A_258 : i32 to vector<16xi32>
    %shift_right_logical3A_260 = arith.shrui %get3A_250, %shift_right_logical3A_259 : vector<16xi32>
    %swap3A_261 = arith.constant 0 : index
    %swap3A_262 = tpu.vector_load %arg17[%swap3A_261] {strides = array<i32>} : memref<32xi32, #tpu.memory_space<vmem>>, vector<16xi32>,
    %swap3A_263 = vector.shape_cast %swap3A_262 : vector<16xi32> to vector<16xi32>
    %swap3A_264 = vector.shape_cast %shift_right_logical3A_260 : vector<16xi32> to vector<16xi32>
    tpu.vector_store %arg17[%swap3A_261], %swap3A_264 {strides = array<i32>} : memref<32xi32, #tpu.memory_space<vmem>>, vector<16xi32>,
    %get3A_265 = arith.constant 1 : i32
    %get3A_266 = arith.index_cast %get3A_265 : i32 to index
    %get3A_267 = arith.constant 48 : index
    %get3A_268 = tpu.vector_load %arg5[%get3A_266, %get3A_267] {strides = array<i32>} : memref<80x128xi32, #tpu.memory_space<vmem>>, vector<1x16xi32>,
    %get3A_269 = vector.shape_cast %get3A_268 : vector<1x16xi32> to vector<16xi32>
    %and3A_270 = arith.constant 65535 : i32
    %and3A_271 = vector.broadcast %and3A_270 : i32 to vector<16xi32>
    %and3A_272 = arith.andi %get3A_269, %and3A_271 : vector<16xi32>
    %swap3A_273 = arith.constant 16 : index
    %swap3A_274 = tpu.vector_load %arg16[%swap3A_273] {strides = array<i32>} : memref<32xi32, #tpu.memory_space<vmem>>, vector<16xi32>,
    %swap3A_275 = vector.shape_cast %swap3A_274 : vector<16xi32> to vector<16xi32>
    %swap3A_276 = vector.shape_cast %and3A_272 : vector<16xi32> to vector<16xi32>
    tpu.vector_store %arg16[%swap3A_273], %swap3A_276 {strides = array<i32>} : memref<32xi32, #tpu.memory_space<vmem>>, vector<16xi32>,
    %shift_right_logical3A_277 = arith.constant 16 : i32
    %shift_right_logical3A_278 = vector.broadcast %shift_right_logical3A_277 : i32 to vector<16xi32>
    %shift_right_logical3A_279 = arith.shrui %get3A_269, %shift_right_logical3A_278 : vector<16xi32>
    %swap3A_280 = arith.constant 16 : index
    %swap3A_281 = tpu.vector_load %arg17[%swap3A_280] {strides = array<i32>} : memref<32xi32, #tpu.memory_space<vmem>>, vector<16xi32>,
    %swap3A_282 = vector.shape_cast %swap3A_281 : vector<16xi32> to vector<16xi32>
    %swap3A_283 = vector.shape_cast %shift_right_logical3A_279 : vector<16xi32> to vector<16xi32>
    tpu.vector_store %arg17[%swap3A_280], %swap3A_283 {strides = array<i32>} : memref<32xi32, #tpu.memory_space<vmem>>, vector<16xi32>,
    %dma_start3A_284 = arith.constant 0 : i32
    %dma_start3A_285 = arith.constant 0 : i32
    %dma_start3A_286 = tpu.memref_slice %arg3[%dma_start3A_284, %dma_start3A_285] : memref<20000x128xf32, #tpu.memory_space<hbm>> -> memref<20000x128xf32, #tpu.memory_space<hbm>>
    tpu.enqueue_indirect_dma source(%dma_start3A_286 : memref<20000x128xf32, #tpu.memory_space<hbm>>) target(%arg27 : memref<32x128xf32, #tpu.memory_space<vmem>>) offsets(%arg16 : memref<32xi32, #tpu.memory_space<vmem>>) semaphore(%arg36 : memref<!tpu.dma_semaphore, #tpu.memory_space<semaphore_mem>>)
    %get3A_287 = arith.constant 1 : i32
    %get3A_288 = arith.index_cast %get3A_287 : i32 to index
    %get3A_289 = arith.constant 64 : index
    %get3A_290 = tpu.vector_load %arg5[%get3A_288, %get3A_289] {strides = array<i32>} : memref<80x128xi32, #tpu.memory_space<vmem>>, vector<1x16xi32>,
    %get3A_291 = vector.shape_cast %get3A_290 : vector<1x16xi32> to vector<16xi32>
    %and3A_292 = arith.constant 65535 : i32
    %and3A_293 = vector.broadcast %and3A_292 : i32 to vector<16xi32>
    %and3A_294 = arith.andi %get3A_291, %and3A_293 : vector<16xi32>
    %swap3A_295 = arith.constant 0 : index
    %swap3A_296 = tpu.vector_load %arg18[%swap3A_295] {strides = array<i32>} : memref<32xi32, #tpu.memory_space<vmem>>, vector<16xi32>,
    %swap3A_297 = vector.shape_cast %swap3A_296 : vector<16xi32> to vector<16xi32>
    %swap3A_298 = vector.shape_cast %and3A_294 : vector<16xi32> to vector<16xi32>
    tpu.vector_store %arg18[%swap3A_295], %swap3A_298 {strides = array<i32>} : memref<32xi32, #tpu.memory_space<vmem>>, vector<16xi32>,
    %shift_right_logical3A_299 = arith.constant 16 : i32
    %shift_right_logical3A_300 = vector.broadcast %shift_right_logical3A_299 : i32 to vector<16xi32>
    %shift_right_logical3A_301 = arith.shrui %get3A_291, %shift_right_logical3A_300 : vector<16xi32>
    %swap3A_302 = arith.constant 0 : index
    %swap3A_303 = tpu.vector_load %arg19[%swap3A_302] {strides = array<i32>} : memref<32xi32, #tpu.memory_space<vmem>>, vector<16xi32>,
    %swap3A_304 = vector.shape_cast %swap3A_303 : vector<16xi32> to vector<16xi32>
    %swap3A_305 = vector.shape_cast %shift_right_logical3A_301 : vector<16xi32> to vector<16xi32>
    tpu.vector_store %arg19[%swap3A_302], %swap3A_305 {strides = array<i32>} : memref<32xi32, #tpu.memory_space<vmem>>, vector<16xi32>,
    %get3A_306 = arith.constant 1 : i32
    %get3A_307 = arith.index_cast %get3A_306 : i32 to index
    %get3A_308 = arith.constant 80 : index
    %get3A_309 = tpu.vector_load %arg5[%get3A_307, %get3A_308] {strides = array<i32>} : memref<80x128xi32, #tpu.memory_space<vmem>>, vector<1x16xi32>,
    %get3A_310 = vector.shape_cast %get3A_309 : vector<1x16xi32> to vector<16xi32>
    %and3A_311 = arith.constant 65535 : i32
    %and3A_312 = vector.broadcast %and3A_311 : i32 to vector<16xi32>
    %and3A_313 = arith.andi %get3A_310, %and3A_312 : vector<16xi32>
    %swap3A_314 = arith.constant 16 : index
    %swap3A_315 = tpu.vector_load %arg18[%swap3A_314] {strides = array<i32>} : memref<32xi32, #tpu.memory_space<vmem>>, vector<16xi32>,
    %swap3A_316 = vector.shape_cast %swap3A_315 : vector<16xi32> to vector<16xi32>
    %swap3A_317 = vector.shape_cast %and3A_313 : vector<16xi32> to vector<16xi32>
    tpu.vector_store %arg18[%swap3A_314], %swap3A_317 {strides = array<i32>} : memref<32xi32, #tpu.memory_space<vmem>>, vector<16xi32>,
    %shift_right_logical3A_318 = arith.constant 16 : i32
    %shift_right_logical3A_319 = vector.broadcast %shift_right_logical3A_318 : i32 to vector<16xi32>
    %shift_right_logical3A_320 = arith.shrui %get3A_310, %shift_right_logical3A_319 : vector<16xi32>
    %swap3A_321 = arith.constant 16 : index
    %swap3A_322 = tpu.vector_load %arg19[%swap3A_321] {strides = array<i32>} : memref<32xi32, #tpu.memory_space<vmem>>, vector<16xi32>,
    %swap3A_323 = vector.shape_cast %swap3A_322 : vector<16xi32> to vector<16xi32>
    %swap3A_324 = vector.shape_cast %shift_right_logical3A_320 : vector<16xi32> to vector<16xi32>
    tpu.vector_store %arg19[%swap3A_321], %swap3A_324 {strides = array<i32>} : memref<32xi32, #tpu.memory_space<vmem>>, vector<16xi32>,
    %dma_start3A_325 = arith.constant 0 : i32
    %dma_start3A_326 = arith.constant 0 : i32
    %dma_start3A_327 = tpu.memref_slice %arg3[%dma_start3A_325, %dma_start3A_326] : memref<20000x128xf32, #tpu.memory_space<hbm>> -> memref<20000x128xf32, #tpu.memory_space<hbm>>
    tpu.enqueue_indirect_dma source(%dma_start3A_327 : memref<20000x128xf32, #tpu.memory_space<hbm>>) target(%arg28 : memref<32x128xf32, #tpu.memory_space<vmem>>) offsets(%arg18 : memref<32xi32, #tpu.memory_space<vmem>>) semaphore(%arg37 : memref<!tpu.dma_semaphore, #tpu.memory_space<semaphore_mem>>)
    %get3A_328 = arith.constant 1 : i32
    %get3A_329 = arith.index_cast %get3A_328 : i32 to index
    %get3A_330 = arith.constant 96 : index
    %get3A_331 = tpu.vector_load %arg5[%get3A_329, %get3A_330] {strides = array<i32>} : memref<80x128xi32, #tpu.memory_space<vmem>>, vector<1x16xi32>,
    %get3A_332 = vector.shape_cast %get3A_331 : vector<1x16xi32> to vector<16xi32>
    %and3A_333 = arith.constant 65535 : i32
    %and3A_334 = vector.broadcast %and3A_333 : i32 to vector<16xi32>
    %and3A_335 = arith.andi %get3A_332, %and3A_334 : vector<16xi32>
    %swap3A_336 = arith.constant 0 : index
    %swap3A_337 = tpu.vector_load %arg20[%swap3A_336] {strides = array<i32>} : memref<32xi32, #tpu.memory_space<vmem>>, vector<16xi32>,
    %swap3A_338 = vector.shape_cast %swap3A_337 : vector<16xi32> to vector<16xi32>
    %swap3A_339 = vector.shape_cast %and3A_335 : vector<16xi32> to vector<16xi32>
    tpu.vector_store %arg20[%swap3A_336], %swap3A_339 {strides = array<i32>} : memref<32xi32, #tpu.memory_space<vmem>>, vector<16xi32>,
    %shift_right_logical3A_340 = arith.constant 16 : i32
    %shift_right_logical3A_341 = vector.broadcast %shift_right_logical3A_340 : i32 to vector<16xi32>
    %shift_right_logical3A_342 = arith.shrui %get3A_332, %shift_right_logical3A_341 : vector<16xi32>
    %swap3A_343 = arith.constant 0 : index
    %swap3A_344 = tpu.vector_load %arg21[%swap3A_343] {strides = array<i32>} : memref<32xi32, #tpu.memory_space<vmem>>, vector<16xi32>,
    %swap3A_345 = vector.shape_cast %swap3A_344 : vector<16xi32> to vector<16xi32>
    %swap3A_346 = vector.shape_cast %shift_right_logical3A_342 : vector<16xi32> to vector<16xi32>
    tpu.vector_store %arg21[%swap3A_343], %swap3A_346 {strides = array<i32>} : memref<32xi32, #tpu.memory_space<vmem>>, vector<16xi32>,
    %get3A_347 = arith.constant 1 : i32
    %get3A_348 = arith.index_cast %get3A_347 : i32 to index
    %get3A_349 = arith.constant 112 : index
    %get3A_350 = tpu.vector_load %arg5[%get3A_348, %get3A_349] {strides = array<i32>} : memref<80x128xi32, #tpu.memory_space<vmem>>, vector<1x16xi32>,
    %get3A_351 = vector.shape_cast %get3A_350 : vector<1x16xi32> to vector<16xi32>
    %and3A_352 = arith.constant 65535 : i32
    %and3A_353 = vector.broadcast %and3A_352 : i32 to vector<16xi32>
    %and3A_354 = arith.andi %get3A_351, %and3A_353 : vector<16xi32>
    %swap3A_355 = arith.constant 16 : index
    %swap3A_356 = tpu.vector_load %arg20[%swap3A_355] {strides = array<i32>} : memref<32xi32, #tpu.memory_space<vmem>>, vector<16xi32>,
    %swap3A_357 = vector.shape_cast %swap3A_356 : vector<16xi32> to vector<16xi32>
    %swap3A_358 = vector.shape_cast %and3A_354 : vector<16xi32> to vector<16xi32>
    tpu.vector_store %arg20[%swap3A_355], %swap3A_358 {strides = array<i32>} : memref<32xi32, #tpu.memory_space<vmem>>, vector<16xi32>,
    %shift_right_logical3A_359 = arith.constant 16 : i32
    %shift_right_logical3A_360 = vector.broadcast %shift_right_logical3A_359 : i32 to vector<16xi32>
    %shift_right_logical3A_361 = arith.shrui %get3A_351, %shift_right_logical3A_360 : vector<16xi32>
    %swap3A_362 = arith.constant 16 : index
    %swap3A_363 = tpu.vector_load %arg21[%swap3A_362] {strides = array<i32>} : memref<32xi32, #tpu.memory_space<vmem>>, vector<16xi32>,
    %swap3A_364 = vector.shape_cast %swap3A_363 : vector<16xi32> to vector<16xi32>
    %swap3A_365 = vector.shape_cast %shift_right_logical3A_361 : vector<16xi32> to vector<16xi32>
    tpu.vector_store %arg21[%swap3A_362], %swap3A_365 {strides = array<i32>} : memref<32xi32, #tpu.memory_space<vmem>>, vector<16xi32>,
    %dma_start3A_366 = arith.constant 0 : i32
    %dma_start3A_367 = arith.constant 0 : i32
    %dma_start3A_368 = tpu.memref_slice %arg3[%dma_start3A_366, %dma_start3A_367] : memref<20000x128xf32, #tpu.memory_space<hbm>> -> memref<20000x128xf32, #tpu.memory_space<hbm>>
    tpu.enqueue_indirect_dma source(%dma_start3A_368 : memref<20000x128xf32, #tpu.memory_space<hbm>>) target(%arg29 : memref<32x128xf32, #tpu.memory_space<vmem>>) offsets(%arg20 : memref<32xi32, #tpu.memory_space<vmem>>) semaphore(%arg38 : memref<!tpu.dma_semaphore, #tpu.memory_space<semaphore_mem>>)
    %barrier3A = arith.constant 0 : index
    tpu.barrier barrier_id(%barrier3A)
    %scan3A_369 = arith.constant 0 : i32
    %scan3A_370 = arith.constant 0 : i32
    %scan3A_371 = arith.constant 39 : i32
    %scan3A_372 = arith.addi %scan3A_370, %scan3A_371 : i32
    %scan3A_373 = arith.constant 1 : i32
    scf.for %scan3A_408 = %scan3A_370 to %scan3A_372 step %scan3A_373  : i32 {
      %dma_wait3A_409 = arith.constant 0 : i32
      %dma_wait3A_410 = arith.constant 0 : i32
      %dma_wait3A_411 = tpu.memref_slice %arg3[%dma_wait3A_409, %dma_wait3A_410] : memref<20000x128xf32, #tpu.memory_space<hbm>> -> memref<20000x128xf32, #tpu.memory_space<hbm>>
      tpu.wait_indirect_dma semaphore(%arg31 : memref<!tpu.dma_semaphore, #tpu.memory_space<semaphore_mem>>) src(%dma_wait3A_411 : memref<20000x128xf32, #tpu.memory_space<hbm>>) dst(%arg22 : memref<32x128xf32, #tpu.memory_space<vmem>>)
      "tpu.region"() ({
        %run_scoped3A = tpu.sem_alloc : memref<!tpu.dma_semaphore, #tpu.memory_space<semaphore_mem>>
        %dma_start3A_793 = arith.constant 0 : i32
        %dma_start3A_794 = arith.constant 0 : i32
        %dma_start3A_795 = tpu.memref_slice %arg30[%dma_start3A_793, %dma_start3A_794] : memref<10112x128xf32, #tpu.memory_space<vmem_shared>> -> memref<10112x128xf32, #tpu.memory_space<vmem_shared>>
        tpu.enqueue_indirect_dma source(%arg22 : memref<32x128xf32, #tpu.memory_space<vmem>>) target(%dma_start3A_795 : memref<10112x128xf32, #tpu.memory_space<vmem_shared>>) offsets(%arg7 : memref<32xi32, #tpu.memory_space<vmem>>) semaphore(%run_scoped3A : memref<!tpu.dma_semaphore, #tpu.memory_space<semaphore_mem>>) {add = true}
        %dma_wait3A_796 = arith.constant 0 : i32
        %dma_wait3A_797 = arith.constant 0 : i32
        %dma_wait3A_798 = tpu.memref_slice %arg30[%dma_wait3A_796, %dma_wait3A_797] : memref<10112x128xf32, #tpu.memory_space<vmem_shared>> -> memref<10112x128xf32, #tpu.memory_space<vmem_shared>>
        tpu.wait_indirect_dma semaphore(%run_scoped3A : memref<!tpu.dma_semaphore, #tpu.memory_space<semaphore_mem>>) src(%arg22 : memref<32x128xf32, #tpu.memory_space<vmem>>) dst(%dma_wait3A_798 : memref<10112x128xf32, #tpu.memory_space<vmem_shared>>)
        tpu.yield
      }) : () -> ()
      %mul3A_412 = arith.constant 2 : i32
      %mul3A_413 = arith.muli %mul3A_412, %scan3A_408 : i32
      %add3A_414 = arith.constant 2 : i32
      %add3A_415 = arith.addi %mul3A_413, %add3A_414 : i32
      %add3A_416 = arith.constant 0 : i32
      %add3A_417 = arith.addi %add3A_415, %add3A_416 : i32
      %get3A_418 = arith.index_cast %add3A_417 : i32 to index
      %get3A_419 = arith.constant 0 : index
      %get3A_420 = tpu.vector_load %arg5[%get3A_418, %get3A_419] {strides = array<i32>} : memref<80x128xi32, #tpu.memory_space<vmem>>, vector<1x16xi32>,
      %get3A_421 = vector.shape_cast %get3A_420 : vector<1x16xi32> to vector<16xi32>
      %and3A_422 = arith.constant 65535 : i32
      %and3A_423 = vector.broadcast %and3A_422 : i32 to vector<16xi32>
      %and3A_424 = arith.andi %get3A_421, %and3A_423 : vector<16xi32>
      %swap3A_425 = arith.constant 0 : index
      %swap3A_426 = tpu.vector_load %arg6[%swap3A_425] {strides = array<i32>} : memref<32xi32, #tpu.memory_space<vmem>>, vector<16xi32>,
      %swap3A_427 = vector.shape_cast %swap3A_426 : vector<16xi32> to vector<16xi32>
      %swap3A_428 = vector.shape_cast %and3A_424 : vector<16xi32> to vector<16xi32>
      tpu.vector_store %arg6[%swap3A_425], %swap3A_428 {strides = array<i32>} : memref<32xi32, #tpu.memory_space<vmem>>, vector<16xi32>,
      %shift_right_logical3A_429 = arith.constant 16 : i32
      %shift_right_logical3A_430 = vector.broadcast %shift_right_logical3A_429 : i32 to vector<16xi32>
      %shift_right_logical3A_431 = arith.shrui %get3A_421, %shift_right_logical3A_430 : vector<16xi32>
      %swap3A_432 = arith.constant 0 : index
      %swap3A_433 = tpu.vector_load %arg7[%swap3A_432] {strides = array<i32>} : memref<32xi32, #tpu.memory_space<vmem>>, vector<16xi32>,
      %swap3A_434 = vector.shape_cast %swap3A_433 : vector<16xi32> to vector<16xi32>
      %swap3A_435 = vector.shape_cast %shift_right_logical3A_431 : vector<16xi32> to vector<16xi32>
      tpu.vector_store %arg7[%swap3A_432], %swap3A_435 {strides = array<i32>} : memref<32xi32, #tpu.memory_space<vmem>>, vector<16xi32>,
      %get3A_436 = arith.index_cast %add3A_417 : i32 to index
      %get3A_437 = arith.constant 16 : index
      %get3A_438 = tpu.vector_load %arg5[%get3A_436, %get3A_437] {strides = array<i32>} : memref<80x128xi32, #tpu.memory_space<vmem>>, vector<1x16xi32>,
      %get3A_439 = vector.shape_cast %get3A_438 : vector<1x16xi32> to vector<16xi32>
      %and3A_440 = arith.constant 65535 : i32
      %and3A_441 = vector.broadcast %and3A_440 : i32 to vector<16xi32>
      %and3A_442 = arith.andi %get3A_439, %and3A_441 : vector<16xi32>
      %swap3A_443 = arith.constant 16 : index
      %swap3A_444 = tpu.vector_load %arg6[%swap3A_443] {strides = array<i32>} : memref<32xi32, #tpu.memory_space<vmem>>, vector<16xi32>,
      %swap3A_445 = vector.shape_cast %swap3A_444 : vector<16xi32> to vector<16xi32>
      %swap3A_446 = vector.shape_cast %and3A_442 : vector<16xi32> to vector<16xi32>
      tpu.vector_store %arg6[%swap3A_443], %swap3A_446 {strides = array<i32>} : memref<32xi32, #tpu.memory_space<vmem>>, vector<16xi32>,
      %shift_right_logical3A_447 = arith.constant 16 : i32
      %shift_right_logical3A_448 = vector.broadcast %shift_right_logical3A_447 : i32 to vector<16xi32>
      %shift_right_logical3A_449 = arith.shrui %get3A_439, %shift_right_logical3A_448 : vector<16xi32>
      %swap3A_450 = arith.constant 16 : index
      %swap3A_451 = tpu.vector_load %arg7[%swap3A_450] {strides = array<i32>} : memref<32xi32, #tpu.memory_space<vmem>>, vector<16xi32>,
      %swap3A_452 = vector.shape_cast %swap3A_451 : vector<16xi32> to vector<16xi32>
      %swap3A_453 = vector.shape_cast %shift_right_logical3A_449 : vector<16xi32> to vector<16xi32>
      tpu.vector_store %arg7[%swap3A_450], %swap3A_453 {strides = array<i32>} : memref<32xi32, #tpu.memory_space<vmem>>, vector<16xi32>,
      %dma_start3A_454 = arith.constant 0 : i32
      %dma_start3A_455 = arith.constant 0 : i32
      %dma_start3A_456 = tpu.memref_slice %arg3[%dma_start3A_454, %dma_start3A_455] : memref<20000x128xf32, #tpu.memory_space<hbm>> -> memref<20000x128xf32, #tpu.memory_space<hbm>>
      tpu.enqueue_indirect_dma source(%dma_start3A_456 : memref<20000x128xf32, #tpu.memory_space<hbm>>) target(%arg22 : memref<32x128xf32, #tpu.memory_space<vmem>>) offsets(%arg6 : memref<32xi32, #tpu.memory_space<vmem>>) semaphore(%arg31 : memref<!tpu.dma_semaphore, #tpu.memory_space<semaphore_mem>>)
      %dma_wait3A_457 = arith.constant 0 : i32
      %dma_wait3A_458 = arith.constant 0 : i32
      %dma_wait3A_459 = tpu.memref_slice %arg3[%dma_wait3A_457, %dma_wait3A_458] : memref<20000x128xf32, #tpu.memory_space<hbm>> -> memref<20000x128xf32, #tpu.memory_space<hbm>>
      tpu.wait_indirect_dma semaphore(%arg32 : memref<!tpu.dma_semaphore, #tpu.memory_space<semaphore_mem>>) src(%dma_wait3A_459 : memref<20000x128xf32, #tpu.memory_space<hbm>>) dst(%arg23 : memref<32x128xf32, #tpu.memory_space<vmem>>)
      "tpu.region"() ({
        %run_scoped3A = tpu.sem_alloc : memref<!tpu.dma_semaphore, #tpu.memory_space<semaphore_mem>>
        %dma_start3A_793 = arith.constant 0 : i32
        %dma_start3A_794 = arith.constant 0 : i32
        %dma_start3A_795 = tpu.memref_slice %arg30[%dma_start3A_793, %dma_start3A_794] : memref<10112x128xf32, #tpu.memory_space<vmem_shared>> -> memref<10112x128xf32, #tpu.memory_space<vmem_shared>>
        tpu.enqueue_indirect_dma source(%arg23 : memref<32x128xf32, #tpu.memory_space<vmem>>) target(%dma_start3A_795 : memref<10112x128xf32, #tpu.memory_space<vmem_shared>>) offsets(%arg9 : memref<32xi32, #tpu.memory_space<vmem>>) semaphore(%run_scoped3A : memref<!tpu.dma_semaphore, #tpu.memory_space<semaphore_mem>>) {add = true}
        %dma_wait3A_796 = arith.constant 0 : i32
        %dma_wait3A_797 = arith.constant 0 : i32
        %dma_wait3A_798 = tpu.memref_slice %arg30[%dma_wait3A_796, %dma_wait3A_797] : memref<10112x128xf32, #tpu.memory_space<vmem_shared>> -> memref<10112x128xf32, #tpu.memory_space<vmem_shared>>
        tpu.wait_indirect_dma semaphore(%run_scoped3A : memref<!tpu.dma_semaphore, #tpu.memory_space<semaphore_mem>>) src(%arg23 : memref<32x128xf32, #tpu.memory_space<vmem>>) dst(%dma_wait3A_798 : memref<10112x128xf32, #tpu.memory_space<vmem_shared>>)
        tpu.yield
      }) : () -> ()
      %mul3A_460 = arith.constant 2 : i32
      %mul3A_461 = arith.muli %mul3A_460, %scan3A_408 : i32
      %add3A_462 = arith.constant 2 : i32
      %add3A_463 = arith.addi %mul3A_461, %add3A_462 : i32
      %add3A_464 = arith.constant 0 : i32
      %add3A_465 = arith.addi %add3A_463, %add3A_464 : i32
      %get3A_466 = arith.index_cast %add3A_465 : i32 to index
      %get3A_467 = arith.constant 32 : index
      %get3A_468 = tpu.vector_load %arg5[%get3A_466, %get3A_467] {strides = array<i32>} : memref<80x128xi32, #tpu.memory_space<vmem>>, vector<1x16xi32>,
      %get3A_469 = vector.shape_cast %get3A_468 : vector<1x16xi32> to vector<16xi32>
      %and3A_470 = arith.constant 65535 : i32
      %and3A_471 = vector.broadcast %and3A_470 : i32 to vector<16xi32>
      %and3A_472 = arith.andi %get3A_469, %and3A_471 : vector<16xi32>
      %swap3A_473 = arith.constant 0 : index
      %swap3A_474 = tpu.vector_load %arg8[%swap3A_473] {strides = array<i32>} : memref<32xi32, #tpu.memory_space<vmem>>, vector<16xi32>,
      %swap3A_475 = vector.shape_cast %swap3A_474 : vector<16xi32> to vector<16xi32>
      %swap3A_476 = vector.shape_cast %and3A_472 : vector<16xi32> to vector<16xi32>
      tpu.vector_store %arg8[%swap3A_473], %swap3A_476 {strides = array<i32>} : memref<32xi32, #tpu.memory_space<vmem>>, vector<16xi32>,
      %shift_right_logical3A_477 = arith.constant 16 : i32
      %shift_right_logical3A_478 = vector.broadcast %shift_right_logical3A_477 : i32 to vector<16xi32>
      %shift_right_logical3A_479 = arith.shrui %get3A_469, %shift_right_logical3A_478 : vector<16xi32>
      %swap3A_480 = arith.constant 0 : index
      %swap3A_481 = tpu.vector_load %arg9[%swap3A_480] {strides = array<i32>} : memref<32xi32, #tpu.memory_space<vmem>>, vector<16xi32>,
      %swap3A_482 = vector.shape_cast %swap3A_481 : vector<16xi32> to vector<16xi32>
      %swap3A_483 = vector.shape_cast %shift_right_logical3A_479 : vector<16xi32> to vector<16xi32>
      tpu.vector_store %arg9[%swap3A_480], %swap3A_483 {strides = array<i32>} : memref<32xi32, #tpu.memory_space<vmem>>, vector<16xi32>,
      %get3A_484 = arith.index_cast %add3A_465 : i32 to index
      %get3A_485 = arith.constant 48 : index
      %get3A_486 = tpu.vector_load %arg5[%get3A_484, %get3A_485] {strides = array<i32>} : memref<80x128xi32, #tpu.memory_space<vmem>>, vector<1x16xi32>,
      %get3A_487 = vector.shape_cast %get3A_486 : vector<1x16xi32> to vector<16xi32>
      %and3A_488 = arith.constant 65535 : i32
      %and3A_489 = vector.broadcast %and3A_488 : i32 to vector<16xi32>
      %and3A_490 = arith.andi %get3A_487, %and3A_489 : vector<16xi32>
      %swap3A_491 = arith.constant 16 : index
      %swap3A_492 = tpu.vector_load %arg8[%swap3A_491] {strides = array<i32>} : memref<32xi32, #tpu.memory_space<vmem>>, vector<16xi32>,
      %swap3A_493 = vector.shape_cast %swap3A_492 : vector<16xi32> to vector<16xi32>
      %swap3A_494 = vector.shape_cast %and3A_490 : vector<16xi32> to vector<16xi32>
      tpu.vector_store %arg8[%swap3A_491], %swap3A_494 {strides = array<i32>} : memref<32xi32, #tpu.memory_space<vmem>>, vector<16xi32>,
      %shift_right_logical3A_495 = arith.constant 16 : i32
      %shift_right_logical3A_496 = vector.broadcast %shift_right_logical3A_495 : i32 to vector<16xi32>
      %shift_right_logical3A_497 = arith.shrui %get3A_487, %shift_right_logical3A_496 : vector<16xi32>
      %swap3A_498 = arith.constant 16 : index
      %swap3A_499 = tpu.vector_load %arg9[%swap3A_498] {strides = array<i32>} : memref<32xi32, #tpu.memory_space<vmem>>, vector<16xi32>,
      %swap3A_500 = vector.shape_cast %swap3A_499 : vector<16xi32> to vector<16xi32>
      %swap3A_501 = vector.shape_cast %shift_right_logical3A_497 : vector<16xi32> to vector<16xi32>
      tpu.vector_store %arg9[%swap3A_498], %swap3A_501 {strides = array<i32>} : memref<32xi32, #tpu.memory_space<vmem>>, vector<16xi32>,
      %dma_start3A_502 = arith.constant 0 : i32
      %dma_start3A_503 = arith.constant 0 : i32
      %dma_start3A_504 = tpu.memref_slice %arg3[%dma_start3A_502, %dma_start3A_503] : memref<20000x128xf32, #tpu.memory_space<hbm>> -> memref<20000x128xf32, #tpu.memory_space<hbm>>
      tpu.enqueue_indirect_dma source(%dma_start3A_504 : memref<20000x128xf32, #tpu.memory_space<hbm>>) target(%arg23 : memref<32x128xf32, #tpu.memory_space<vmem>>) offsets(%arg8 : memref<32xi32, #tpu.memory_space<vmem>>) semaphore(%arg32 : memref<!tpu.dma_semaphore, #tpu.memory_space<semaphore_mem>>)
      %dma_wait3A_505 = arith.constant 0 : i32
      %dma_wait3A_506 = arith.constant 0 : i32
      %dma_wait3A_507 = tpu.memref_slice %arg3[%dma_wait3A_505, %dma_wait3A_506] : memref<20000x128xf32, #tpu.memory_space<hbm>> -> memref<20000x128xf32, #tpu.memory_space<hbm>>
      tpu.wait_indirect_dma semaphore(%arg33 : memref<!tpu.dma_semaphore, #tpu.memory_space<semaphore_mem>>) src(%dma_wait3A_507 : memref<20000x128xf32, #tpu.memory_space<hbm>>) dst(%arg24 : memref<32x128xf32, #tpu.memory_space<vmem>>)
      "tpu.region"() ({
        %run_scoped3A = tpu.sem_alloc : memref<!tpu.dma_semaphore, #tpu.memory_space<semaphore_mem>>
        %dma_start3A_793 = arith.constant 0 : i32
        %dma_start3A_794 = arith.constant 0 : i32
        %dma_start3A_795 = tpu.memref_slice %arg30[%dma_start3A_793, %dma_start3A_794] : memref<10112x128xf32, #tpu.memory_space<vmem_shared>> -> memref<10112x128xf32, #tpu.memory_space<vmem_shared>>
        tpu.enqueue_indirect_dma source(%arg24 : memref<32x128xf32, #tpu.memory_space<vmem>>) target(%dma_start3A_795 : memref<10112x128xf32, #tpu.memory_space<vmem_shared>>) offsets(%arg11 : memref<32xi32, #tpu.memory_space<vmem>>) semaphore(%run_scoped3A : memref<!tpu.dma_semaphore, #tpu.memory_space<semaphore_mem>>) {add = true}
        %dma_wait3A_796 = arith.constant 0 : i32
        %dma_wait3A_797 = arith.constant 0 : i32
        %dma_wait3A_798 = tpu.memref_slice %arg30[%dma_wait3A_796, %dma_wait3A_797] : memref<10112x128xf32, #tpu.memory_space<vmem_shared>> -> memref<10112x128xf32, #tpu.memory_space<vmem_shared>>
        tpu.wait_indirect_dma semaphore(%run_scoped3A : memref<!tpu.dma_semaphore, #tpu.memory_space<semaphore_mem>>) src(%arg24 : memref<32x128xf32, #tpu.memory_space<vmem>>) dst(%dma_wait3A_798 : memref<10112x128xf32, #tpu.memory_space<vmem_shared>>)
        tpu.yield
      }) : () -> ()
      %mul3A_508 = arith.constant 2 : i32
      %mul3A_509 = arith.muli %mul3A_508, %scan3A_408 : i32
      %add3A_510 = arith.constant 2 : i32
      %add3A_511 = arith.addi %mul3A_509, %add3A_510 : i32
      %add3A_512 = arith.constant 0 : i32
      %add3A_513 = arith.addi %add3A_511, %add3A_512 : i32
      %get3A_514 = arith.index_cast %add3A_513 : i32 to index
      %get3A_515 = arith.constant 64 : index
      %get3A_516 = tpu.vector_load %arg5[%get3A_514, %get3A_515] {strides = array<i32>} : memref<80x128xi32, #tpu.memory_space<vmem>>, vector<1x16xi32>,
      %get3A_517 = vector.shape_cast %get3A_516 : vector<1x16xi32> to vector<16xi32>
      %and3A_518 = arith.constant 65535 : i32
      %and3A_519 = vector.broadcast %and3A_518 : i32 to vector<16xi32>
      %and3A_520 = arith.andi %get3A_517, %and3A_519 : vector<16xi32>
      %swap3A_521 = arith.constant 0 : index
      %swap3A_522 = tpu.vector_load %arg10[%swap3A_521] {strides = array<i32>} : memref<32xi32, #tpu.memory_space<vmem>>, vector<16xi32>,
      %swap3A_523 = vector.shape_cast %swap3A_522 : vector<16xi32> to vector<16xi32>
      %swap3A_524 = vector.shape_cast %and3A_520 : vector<16xi32> to vector<16xi32>
      tpu.vector_store %arg10[%swap3A_521], %swap3A_524 {strides = array<i32>} : memref<32xi32, #tpu.memory_space<vmem>>, vector<16xi32>,
      %shift_right_logical3A_525 = arith.constant 16 : i32
      %shift_right_logical3A_526 = vector.broadcast %shift_right_logical3A_525 : i32 to vector<16xi32>
      %shift_right_logical3A_527 = arith.shrui %get3A_517, %shift_right_logical3A_526 : vector<16xi32>
      %swap3A_528 = arith.constant 0 : index
      %swap3A_529 = tpu.vector_load %arg11[%swap3A_528] {strides = array<i32>} : memref<32xi32, #tpu.memory_space<vmem>>, vector<16xi32>,
      %swap3A_530 = vector.shape_cast %swap3A_529 : vector<16xi32> to vector<16xi32>
      %swap3A_531 = vector.shape_cast %shift_right_logical3A_527 : vector<16xi32> to vector<16xi32>
      tpu.vector_store %arg11[%swap3A_528], %swap3A_531 {strides = array<i32>} : memref<32xi32, #tpu.memory_space<vmem>>, vector<16xi32>,
      %get3A_532 = arith.index_cast %add3A_513 : i32 to index
      %get3A_533 = arith.constant 80 : index
      %get3A_534 = tpu.vector_load %arg5[%get3A_532, %get3A_533] {strides = array<i32>} : memref<80x128xi32, #tpu.memory_space<vmem>>, vector<1x16xi32>,
      %get3A_535 = vector.shape_cast %get3A_534 : vector<1x16xi32> to vector<16xi32>
      %and3A_536 = arith.constant 65535 : i32
      %and3A_537 = vector.broadcast %and3A_536 : i32 to vector<16xi32>
      %and3A_538 = arith.andi %get3A_535, %and3A_537 : vector<16xi32>
      %swap3A_539 = arith.constant 16 : index
      %swap3A_540 = tpu.vector_load %arg10[%swap3A_539] {strides = array<i32>} : memref<32xi32, #tpu.memory_space<vmem>>, vector<16xi32>,
      %swap3A_541 = vector.shape_cast %swap3A_540 : vector<16xi32> to vector<16xi32>
      %swap3A_542 = vector.shape_cast %and3A_538 : vector<16xi32> to vector<16xi32>
      tpu.vector_store %arg10[%swap3A_539], %swap3A_542 {strides = array<i32>} : memref<32xi32, #tpu.memory_space<vmem>>, vector<16xi32>,
      %shift_right_logical3A_543 = arith.constant 16 : i32
      %shift_right_logical3A_544 = vector.broadcast %shift_right_logical3A_543 : i32 to vector<16xi32>
      %shift_right_logical3A_545 = arith.shrui %get3A_535, %shift_right_logical3A_544 : vector<16xi32>
      %swap3A_546 = arith.constant 16 : index
      %swap3A_547 = tpu.vector_load %arg11[%swap3A_546] {strides = array<i32>} : memref<32xi32, #tpu.memory_space<vmem>>, vector<16xi32>,
      %swap3A_548 = vector.shape_cast %swap3A_547 : vector<16xi32> to vector<16xi32>
      %swap3A_549 = vector.shape_cast %shift_right_logical3A_545 : vector<16xi32> to vector<16xi32>
      tpu.vector_store %arg11[%swap3A_546], %swap3A_549 {strides = array<i32>} : memref<32xi32, #tpu.memory_space<vmem>>, vector<16xi32>,
      %dma_start3A_550 = arith.constant 0 : i32
      %dma_start3A_551 = arith.constant 0 : i32
      %dma_start3A_552 = tpu.memref_slice %arg3[%dma_start3A_550, %dma_start3A_551] : memref<20000x128xf32, #tpu.memory_space<hbm>> -> memref<20000x128xf32, #tpu.memory_space<hbm>>
      tpu.enqueue_indirect_dma source(%dma_start3A_552 : memref<20000x128xf32, #tpu.memory_space<hbm>>) target(%arg24 : memref<32x128xf32, #tpu.memory_space<vmem>>) offsets(%arg10 : memref<32xi32, #tpu.memory_space<vmem>>) semaphore(%arg33 : memref<!tpu.dma_semaphore, #tpu.memory_space<semaphore_mem>>)
      %dma_wait3A_553 = arith.constant 0 : i32
      %dma_wait3A_554 = arith.constant 0 : i32
      %dma_wait3A_555 = tpu.memref_slice %arg3[%dma_wait3A_553, %dma_wait3A_554] : memref<20000x128xf32, #tpu.memory_space<hbm>> -> memref<20000x128xf32, #tpu.memory_space<hbm>>
      tpu.wait_indirect_dma semaphore(%arg34 : memref<!tpu.dma_semaphore, #tpu.memory_space<semaphore_mem>>) src(%dma_wait3A_555 : memref<20000x128xf32, #tpu.memory_space<hbm>>) dst(%arg25 : memref<32x128xf32, #tpu.memory_space<vmem>>)
      "tpu.region"() ({
        %run_scoped3A = tpu.sem_alloc : memref<!tpu.dma_semaphore, #tpu.memory_space<semaphore_mem>>
        %dma_start3A_793 = arith.constant 0 : i32
        %dma_start3A_794 = arith.constant 0 : i32
        %dma_start3A_795 = tpu.memref_slice %arg30[%dma_start3A_793, %dma_start3A_794] : memref<10112x128xf32, #tpu.memory_space<vmem_shared>> -> memref<10112x128xf32, #tpu.memory_space<vmem_shared>>
        tpu.enqueue_indirect_dma source(%arg25 : memref<32x128xf32, #tpu.memory_space<vmem>>) target(%dma_start3A_795 : memref<10112x128xf32, #tpu.memory_space<vmem_shared>>) offsets(%arg13 : memref<32xi32, #tpu.memory_space<vmem>>) semaphore(%run_scoped3A : memref<!tpu.dma_semaphore, #tpu.memory_space<semaphore_mem>>) {add = true}
        %dma_wait3A_796 = arith.constant 0 : i32
        %dma_wait3A_797 = arith.constant 0 : i32
        %dma_wait3A_798 = tpu.memref_slice %arg30[%dma_wait3A_796, %dma_wait3A_797] : memref<10112x128xf32, #tpu.memory_space<vmem_shared>> -> memref<10112x128xf32, #tpu.memory_space<vmem_shared>>
        tpu.wait_indirect_dma semaphore(%run_scoped3A : memref<!tpu.dma_semaphore, #tpu.memory_space<semaphore_mem>>) src(%arg25 : memref<32x128xf32, #tpu.memory_space<vmem>>) dst(%dma_wait3A_798 : memref<10112x128xf32, #tpu.memory_space<vmem_shared>>)
        tpu.yield
      }) : () -> ()
      %mul3A_556 = arith.constant 2 : i32
      %mul3A_557 = arith.muli %mul3A_556, %scan3A_408 : i32
      %add3A_558 = arith.constant 2 : i32
      %add3A_559 = arith.addi %mul3A_557, %add3A_558 : i32
      %add3A_560 = arith.constant 0 : i32
      %add3A_561 = arith.addi %add3A_559, %add3A_560 : i32
      %get3A_562 = arith.index_cast %add3A_561 : i32 to index
      %get3A_563 = arith.constant 96 : index
      %get3A_564 = tpu.vector_load %arg5[%get3A_562, %get3A_563] {strides = array<i32>} : memref<80x128xi32, #tpu.memory_space<vmem>>, vector<1x16xi32>,
      %get3A_565 = vector.shape_cast %get3A_564 : vector<1x16xi32> to vector<16xi32>
      %and3A_566 = arith.constant 65535 : i32
      %and3A_567 = vector.broadcast %and3A_566 : i32 to vector<16xi32>
      %and3A_568 = arith.andi %get3A_565, %and3A_567 : vector<16xi32>
      %swap3A_569 = arith.constant 0 : index
      %swap3A_570 = tpu.vector_load %arg12[%swap3A_569] {strides = array<i32>} : memref<32xi32, #tpu.memory_space<vmem>>, vector<16xi32>,
      %swap3A_571 = vector.shape_cast %swap3A_570 : vector<16xi32> to vector<16xi32>
      %swap3A_572 = vector.shape_cast %and3A_568 : vector<16xi32> to vector<16xi32>
      tpu.vector_store %arg12[%swap3A_569], %swap3A_572 {strides = array<i32>} : memref<32xi32, #tpu.memory_space<vmem>>, vector<16xi32>,
      %shift_right_logical3A_573 = arith.constant 16 : i32
      %shift_right_logical3A_574 = vector.broadcast %shift_right_logical3A_573 : i32 to vector<16xi32>
      %shift_right_logical3A_575 = arith.shrui %get3A_565, %shift_right_logical3A_574 : vector<16xi32>
      %swap3A_576 = arith.constant 0 : index
      %swap3A_577 = tpu.vector_load %arg13[%swap3A_576] {strides = array<i32>} : memref<32xi32, #tpu.memory_space<vmem>>, vector<16xi32>,
      %swap3A_578 = vector.shape_cast %swap3A_577 : vector<16xi32> to vector<16xi32>
      %swap3A_579 = vector.shape_cast %shift_right_logical3A_575 : vector<16xi32> to vector<16xi32>
      tpu.vector_store %arg13[%swap3A_576], %swap3A_579 {strides = array<i32>} : memref<32xi32, #tpu.memory_space<vmem>>, vector<16xi32>,
      %get3A_580 = arith.index_cast %add3A_561 : i32 to index
      %get3A_581 = arith.constant 112 : index
      %get3A_582 = tpu.vector_load %arg5[%get3A_580, %get3A_581] {strides = array<i32>} : memref<80x128xi32, #tpu.memory_space<vmem>>, vector<1x16xi32>,
      %get3A_583 = vector.shape_cast %get3A_582 : vector<1x16xi32> to vector<16xi32>
      %and3A_584 = arith.constant 65535 : i32
      %and3A_585 = vector.broadcast %and3A_584 : i32 to vector<16xi32>
      %and3A_586 = arith.andi %get3A_583, %and3A_585 : vector<16xi32>
      %swap3A_587 = arith.constant 16 : index
      %swap3A_588 = tpu.vector_load %arg12[%swap3A_587] {strides = array<i32>} : memref<32xi32, #tpu.memory_space<vmem>>, vector<16xi32>,
      %swap3A_589 = vector.shape_cast %swap3A_588 : vector<16xi32> to vector<16xi32>
      %swap3A_590 = vector.shape_cast %and3A_586 : vector<16xi32> to vector<16xi32>
      tpu.vector_store %arg12[%swap3A_587], %swap3A_590 {strides = array<i32>} : memref<32xi32, #tpu.memory_space<vmem>>, vector<16xi32>,
      %shift_right_logical3A_591 = arith.constant 16 : i32
      %shift_right_logical3A_592 = vector.broadcast %shift_right_logical3A_591 : i32 to vector<16xi32>
      %shift_right_logical3A_593 = arith.shrui %get3A_583, %shift_right_logical3A_592 : vector<16xi32>
      %swap3A_594 = arith.constant 16 : index
      %swap3A_595 = tpu.vector_load %arg13[%swap3A_594] {strides = array<i32>} : memref<32xi32, #tpu.memory_space<vmem>>, vector<16xi32>,
      %swap3A_596 = vector.shape_cast %swap3A_595 : vector<16xi32> to vector<16xi32>
      %swap3A_597 = vector.shape_cast %shift_right_logical3A_593 : vector<16xi32> to vector<16xi32>
      tpu.vector_store %arg13[%swap3A_594], %swap3A_597 {strides = array<i32>} : memref<32xi32, #tpu.memory_space<vmem>>, vector<16xi32>,
      %dma_start3A_598 = arith.constant 0 : i32
      %dma_start3A_599 = arith.constant 0 : i32
      %dma_start3A_600 = tpu.memref_slice %arg3[%dma_start3A_598, %dma_start3A_599] : memref<20000x128xf32, #tpu.memory_space<hbm>> -> memref<20000x128xf32, #tpu.memory_space<hbm>>
      tpu.enqueue_indirect_dma source(%dma_start3A_600 : memref<20000x128xf32, #tpu.memory_space<hbm>>) target(%arg25 : memref<32x128xf32, #tpu.memory_space<vmem>>) offsets(%arg12 : memref<32xi32, #tpu.memory_space<vmem>>) semaphore(%arg34 : memref<!tpu.dma_semaphore, #tpu.memory_space<semaphore_mem>>)
      %dma_wait3A_601 = arith.constant 0 : i32
      %dma_wait3A_602 = arith.constant 0 : i32
      %dma_wait3A_603 = tpu.memref_slice %arg3[%dma_wait3A_601, %dma_wait3A_602] : memref<20000x128xf32, #tpu.memory_space<hbm>> -> memref<20000x128xf32, #tpu.memory_space<hbm>>
      tpu.wait_indirect_dma semaphore(%arg35 : memref<!tpu.dma_semaphore, #tpu.memory_space<semaphore_mem>>) src(%dma_wait3A_603 : memref<20000x128xf32, #tpu.memory_space<hbm>>) dst(%arg26 : memref<32x128xf32, #tpu.memory_space<vmem>>)
      "tpu.region"() ({
        %run_scoped3A = tpu.sem_alloc : memref<!tpu.dma_semaphore, #tpu.memory_space<semaphore_mem>>
        %dma_start3A_793 = arith.constant 0 : i32
        %dma_start3A_794 = arith.constant 0 : i32
        %dma_start3A_795 = tpu.memref_slice %arg30[%dma_start3A_793, %dma_start3A_794] : memref<10112x128xf32, #tpu.memory_space<vmem_shared>> -> memref<10112x128xf32, #tpu.memory_space<vmem_shared>>
        tpu.enqueue_indirect_dma source(%arg26 : memref<32x128xf32, #tpu.memory_space<vmem>>) target(%dma_start3A_795 : memref<10112x128xf32, #tpu.memory_space<vmem_shared>>) offsets(%arg15 : memref<32xi32, #tpu.memory_space<vmem>>) semaphore(%run_scoped3A : memref<!tpu.dma_semaphore, #tpu.memory_space<semaphore_mem>>) {add = true}
        %dma_wait3A_796 = arith.constant 0 : i32
        %dma_wait3A_797 = arith.constant 0 : i32
        %dma_wait3A_798 = tpu.memref_slice %arg30[%dma_wait3A_796, %dma_wait3A_797] : memref<10112x128xf32, #tpu.memory_space<vmem_shared>> -> memref<10112x128xf32, #tpu.memory_space<vmem_shared>>
        tpu.wait_indirect_dma semaphore(%run_scoped3A : memref<!tpu.dma_semaphore, #tpu.memory_space<semaphore_mem>>) src(%arg26 : memref<32x128xf32, #tpu.memory_space<vmem>>) dst(%dma_wait3A_798 : memref<10112x128xf32, #tpu.memory_space<vmem_shared>>)
        tpu.yield
      }) : () -> ()
      %mul3A_604 = arith.constant 2 : i32
      %mul3A_605 = arith.muli %mul3A_604, %scan3A_408 : i32
      %add3A_606 = arith.constant 2 : i32
      %add3A_607 = arith.addi %mul3A_605, %add3A_606 : i32
      %add3A_608 = arith.constant 1 : i32
      %add3A_609 = arith.addi %add3A_607, %add3A_608 : i32
      %get3A_610 = arith.index_cast %add3A_609 : i32 to index
      %get3A_611 = arith.constant 0 : index
      %get3A_612 = tpu.vector_load %arg5[%get3A_610, %get3A_611] {strides = array<i32>} : memref<80x128xi32, #tpu.memory_space<vmem>>, vector<1x16xi32>,
      %get3A_613 = vector.shape_cast %get3A_612 : vector<1x16xi32> to vector<16xi32>
      %and3A_614 = arith.constant 65535 : i32
      %and3A_615 = vector.broadcast %and3A_614 : i32 to vector<16xi32>
      %and3A_616 = arith.andi %get3A_613, %and3A_615 : vector<16xi32>
      %swap3A_617 = arith.constant 0 : index
      %swap3A_618 = tpu.vector_load %arg14[%swap3A_617] {strides = array<i32>} : memref<32xi32, #tpu.memory_space<vmem>>, vector<16xi32>,
      %swap3A_619 = vector.shape_cast %swap3A_618 : vector<16xi32> to vector<16xi32>
      %swap3A_620 = vector.shape_cast %and3A_616 : vector<16xi32> to vector<16xi32>
      tpu.vector_store %arg14[%swap3A_617], %swap3A_620 {strides = array<i32>} : memref<32xi32, #tpu.memory_space<vmem>>, vector<16xi32>,
      %shift_right_logical3A_621 = arith.constant 16 : i32
      %shift_right_logical3A_622 = vector.broadcast %shift_right_logical3A_621 : i32 to vector<16xi32>
      %shift_right_logical3A_623 = arith.shrui %get3A_613, %shift_right_logical3A_622 : vector<16xi32>
      %swap3A_624 = arith.constant 0 : index
      %swap3A_625 = tpu.vector_load %arg15[%swap3A_624] {strides = array<i32>} : memref<32xi32, #tpu.memory_space<vmem>>, vector<16xi32>,
      %swap3A_626 = vector.shape_cast %swap3A_625 : vector<16xi32> to vector<16xi32>
      %swap3A_627 = vector.shape_cast %shift_right_logical3A_623 : vector<16xi32> to vector<16xi32>
      tpu.vector_store %arg15[%swap3A_624], %swap3A_627 {strides = array<i32>} : memref<32xi32, #tpu.memory_space<vmem>>, vector<16xi32>,
      %get3A_628 = arith.index_cast %add3A_609 : i32 to index
      %get3A_629 = arith.constant 16 : index
      %get3A_630 = tpu.vector_load %arg5[%get3A_628, %get3A_629] {strides = array<i32>} : memref<80x128xi32, #tpu.memory_space<vmem>>, vector<1x16xi32>,
      %get3A_631 = vector.shape_cast %get3A_630 : vector<1x16xi32> to vector<16xi32>
      %and3A_632 = arith.constant 65535 : i32
      %and3A_633 = vector.broadcast %and3A_632 : i32 to vector<16xi32>
      %and3A_634 = arith.andi %get3A_631, %and3A_633 : vector<16xi32>
      %swap3A_635 = arith.constant 16 : index
      %swap3A_636 = tpu.vector_load %arg14[%swap3A_635] {strides = array<i32>} : memref<32xi32, #tpu.memory_space<vmem>>, vector<16xi32>,
      %swap3A_637 = vector.shape_cast %swap3A_636 : vector<16xi32> to vector<16xi32>
      %swap3A_638 = vector.shape_cast %and3A_634 : vector<16xi32> to vector<16xi32>
      tpu.vector_store %arg14[%swap3A_635], %swap3A_638 {strides = array<i32>} : memref<32xi32, #tpu.memory_space<vmem>>, vector<16xi32>,
      %shift_right_logical3A_639 = arith.constant 16 : i32
      %shift_right_logical3A_640 = vector.broadcast %shift_right_logical3A_639 : i32 to vector<16xi32>
      %shift_right_logical3A_641 = arith.shrui %get3A_631, %shift_right_logical3A_640 : vector<16xi32>
      %swap3A_642 = arith.constant 16 : index
      %swap3A_643 = tpu.vector_load %arg15[%swap3A_642] {strides = array<i32>} : memref<32xi32, #tpu.memory_space<vmem>>, vector<16xi32>,
      %swap3A_644 = vector.shape_cast %swap3A_643 : vector<16xi32> to vector<16xi32>
      %swap3A_645 = vector.shape_cast %shift_right_logical3A_641 : vector<16xi32> to vector<16xi32>
      tpu.vector_store %arg15[%swap3A_642], %swap3A_645 {strides = array<i32>} : memref<32xi32, #tpu.memory_space<vmem>>, vector<16xi32>,
      %dma_start3A_646 = arith.constant 0 : i32
      %dma_start3A_647 = arith.constant 0 : i32
      %dma_start3A_648 = tpu.memref_slice %arg3[%dma_start3A_646, %dma_start3A_647] : memref<20000x128xf32, #tpu.memory_space<hbm>> -> memref<20000x128xf32, #tpu.memory_space<hbm>>
      tpu.enqueue_indirect_dma source(%dma_start3A_648 : memref<20000x128xf32, #tpu.memory_space<hbm>>) target(%arg26 : memref<32x128xf32, #tpu.memory_space<vmem>>) offsets(%arg14 : memref<32xi32, #tpu.memory_space<vmem>>) semaphore(%arg35 : memref<!tpu.dma_semaphore, #tpu.memory_space<semaphore_mem>>)
      %dma_wait3A_649 = arith.constant 0 : i32
      %dma_wait3A_650 = arith.constant 0 : i32
      %dma_wait3A_651 = tpu.memref_slice %arg3[%dma_wait3A_649, %dma_wait3A_650] : memref<20000x128xf32, #tpu.memory_space<hbm>> -> memref<20000x128xf32, #tpu.memory_space<hbm>>
      tpu.wait_indirect_dma semaphore(%arg36 : memref<!tpu.dma_semaphore, #tpu.memory_space<semaphore_mem>>) src(%dma_wait3A_651 : memref<20000x128xf32, #tpu.memory_space<hbm>>) dst(%arg27 : memref<32x128xf32, #tpu.memory_space<vmem>>)
      "tpu.region"() ({
        %run_scoped3A = tpu.sem_alloc : memref<!tpu.dma_semaphore, #tpu.memory_space<semaphore_mem>>
        %dma_start3A_793 = arith.constant 0 : i32
        %dma_start3A_794 = arith.constant 0 : i32
        %dma_start3A_795 = tpu.memref_slice %arg30[%dma_start3A_793, %dma_start3A_794] : memref<10112x128xf32, #tpu.memory_space<vmem_shared>> -> memref<10112x128xf32, #tpu.memory_space<vmem_shared>>
        tpu.enqueue_indirect_dma source(%arg27 : memref<32x128xf32, #tpu.memory_space<vmem>>) target(%dma_start3A_795 : memref<10112x128xf32, #tpu.memory_space<vmem_shared>>) offsets(%arg17 : memref<32xi32, #tpu.memory_space<vmem>>) semaphore(%run_scoped3A : memref<!tpu.dma_semaphore, #tpu.memory_space<semaphore_mem>>) {add = true}
        %dma_wait3A_796 = arith.constant 0 : i32
        %dma_wait3A_797 = arith.constant 0 : i32
        %dma_wait3A_798 = tpu.memref_slice %arg30[%dma_wait3A_796, %dma_wait3A_797] : memref<10112x128xf32, #tpu.memory_space<vmem_shared>> -> memref<10112x128xf32, #tpu.memory_space<vmem_shared>>
        tpu.wait_indirect_dma semaphore(%run_scoped3A : memref<!tpu.dma_semaphore, #tpu.memory_space<semaphore_mem>>) src(%arg27 : memref<32x128xf32, #tpu.memory_space<vmem>>) dst(%dma_wait3A_798 : memref<10112x128xf32, #tpu.memory_space<vmem_shared>>)
        tpu.yield
      }) : () -> ()
      %mul3A_652 = arith.constant 2 : i32
      %mul3A_653 = arith.muli %mul3A_652, %scan3A_408 : i32
      %add3A_654 = arith.constant 2 : i32
      %add3A_655 = arith.addi %mul3A_653, %add3A_654 : i32
      %add3A_656 = arith.constant 1 : i32
      %add3A_657 = arith.addi %add3A_655, %add3A_656 : i32
      %get3A_658 = arith.index_cast %add3A_657 : i32 to index
      %get3A_659 = arith.constant 32 : index
      %get3A_660 = tpu.vector_load %arg5[%get3A_658, %get3A_659] {strides = array<i32>} : memref<80x128xi32, #tpu.memory_space<vmem>>, vector<1x16xi32>,
      %get3A_661 = vector.shape_cast %get3A_660 : vector<1x16xi32> to vector<16xi32>
      %and3A_662 = arith.constant 65535 : i32
      %and3A_663 = vector.broadcast %and3A_662 : i32 to vector<16xi32>
      %and3A_664 = arith.andi %get3A_661, %and3A_663 : vector<16xi32>
      %swap3A_665 = arith.constant 0 : index
      %swap3A_666 = tpu.vector_load %arg16[%swap3A_665] {strides = array<i32>} : memref<32xi32, #tpu.memory_space<vmem>>, vector<16xi32>,
      %swap3A_667 = vector.shape_cast %swap3A_666 : vector<16xi32> to vector<16xi32>
      %swap3A_668 = vector.shape_cast %and3A_664 : vector<16xi32> to vector<16xi32>
      tpu.vector_store %arg16[%swap3A_665], %swap3A_668 {strides = array<i32>} : memref<32xi32, #tpu.memory_space<vmem>>, vector<16xi32>,
      %shift_right_logical3A_669 = arith.constant 16 : i32
      %shift_right_logical3A_670 = vector.broadcast %shift_right_logical3A_669 : i32 to vector<16xi32>
      %shift_right_logical3A_671 = arith.shrui %get3A_661, %shift_right_logical3A_670 : vector<16xi32>
      %swap3A_672 = arith.constant 0 : index
      %swap3A_673 = tpu.vector_load %arg17[%swap3A_672] {strides = array<i32>} : memref<32xi32, #tpu.memory_space<vmem>>, vector<16xi32>,
      %swap3A_674 = vector.shape_cast %swap3A_673 : vector<16xi32> to vector<16xi32>
      %swap3A_675 = vector.shape_cast %shift_right_logical3A_671 : vector<16xi32> to vector<16xi32>
      tpu.vector_store %arg17[%swap3A_672], %swap3A_675 {strides = array<i32>} : memref<32xi32, #tpu.memory_space<vmem>>, vector<16xi32>,
      %get3A_676 = arith.index_cast %add3A_657 : i32 to index
      %get3A_677 = arith.constant 48 : index
      %get3A_678 = tpu.vector_load %arg5[%get3A_676, %get3A_677] {strides = array<i32>} : memref<80x128xi32, #tpu.memory_space<vmem>>, vector<1x16xi32>,
      %get3A_679 = vector.shape_cast %get3A_678 : vector<1x16xi32> to vector<16xi32>
      %and3A_680 = arith.constant 65535 : i32
      %and3A_681 = vector.broadcast %and3A_680 : i32 to vector<16xi32>
      %and3A_682 = arith.andi %get3A_679, %and3A_681 : vector<16xi32>
      %swap3A_683 = arith.constant 16 : index
      %swap3A_684 = tpu.vector_load %arg16[%swap3A_683] {strides = array<i32>} : memref<32xi32, #tpu.memory_space<vmem>>, vector<16xi32>,
      %swap3A_685 = vector.shape_cast %swap3A_684 : vector<16xi32> to vector<16xi32>
      %swap3A_686 = vector.shape_cast %and3A_682 : vector<16xi32> to vector<16xi32>
      tpu.vector_store %arg16[%swap3A_683], %swap3A_686 {strides = array<i32>} : memref<32xi32, #tpu.memory_space<vmem>>, vector<16xi32>,
      %shift_right_logical3A_687 = arith.constant 16 : i32
      %shift_right_logical3A_688 = vector.broadcast %shift_right_logical3A_687 : i32 to vector<16xi32>
      %shift_right_logical3A_689 = arith.shrui %get3A_679, %shift_right_logical3A_688 : vector<16xi32>
      %swap3A_690 = arith.constant 16 : index
      %swap3A_691 = tpu.vector_load %arg17[%swap3A_690] {strides = array<i32>} : memref<32xi32, #tpu.memory_space<vmem>>, vector<16xi32>,
      %swap3A_692 = vector.shape_cast %swap3A_691 : vector<16xi32> to vector<16xi32>
      %swap3A_693 = vector.shape_cast %shift_right_logical3A_689 : vector<16xi32> to vector<16xi32>
      tpu.vector_store %arg17[%swap3A_690], %swap3A_693 {strides = array<i32>} : memref<32xi32, #tpu.memory_space<vmem>>, vector<16xi32>,
      %dma_start3A_694 = arith.constant 0 : i32
      %dma_start3A_695 = arith.constant 0 : i32
      %dma_start3A_696 = tpu.memref_slice %arg3[%dma_start3A_694, %dma_start3A_695] : memref<20000x128xf32, #tpu.memory_space<hbm>> -> memref<20000x128xf32, #tpu.memory_space<hbm>>
      tpu.enqueue_indirect_dma source(%dma_start3A_696 : memref<20000x128xf32, #tpu.memory_space<hbm>>) target(%arg27 : memref<32x128xf32, #tpu.memory_space<vmem>>) offsets(%arg16 : memref<32xi32, #tpu.memory_space<vmem>>) semaphore(%arg36 : memref<!tpu.dma_semaphore, #tpu.memory_space<semaphore_mem>>)
      %dma_wait3A_697 = arith.constant 0 : i32
      %dma_wait3A_698 = arith.constant 0 : i32
      %dma_wait3A_699 = tpu.memref_slice %arg3[%dma_wait3A_697, %dma_wait3A_698] : memref<20000x128xf32, #tpu.memory_space<hbm>> -> memref<20000x128xf32, #tpu.memory_space<hbm>>
      tpu.wait_indirect_dma semaphore(%arg37 : memref<!tpu.dma_semaphore, #tpu.memory_space<semaphore_mem>>) src(%dma_wait3A_699 : memref<20000x128xf32, #tpu.memory_space<hbm>>) dst(%arg28 : memref<32x128xf32, #tpu.memory_space<vmem>>)
      "tpu.region"() ({
        %run_scoped3A = tpu.sem_alloc : memref<!tpu.dma_semaphore, #tpu.memory_space<semaphore_mem>>
        %dma_start3A_793 = arith.constant 0 : i32
        %dma_start3A_794 = arith.constant 0 : i32
        %dma_start3A_795 = tpu.memref_slice %arg30[%dma_start3A_793, %dma_start3A_794] : memref<10112x128xf32, #tpu.memory_space<vmem_shared>> -> memref<10112x128xf32, #tpu.memory_space<vmem_shared>>
        tpu.enqueue_indirect_dma source(%arg28 : memref<32x128xf32, #tpu.memory_space<vmem>>) target(%dma_start3A_795 : memref<10112x128xf32, #tpu.memory_space<vmem_shared>>) offsets(%arg19 : memref<32xi32, #tpu.memory_space<vmem>>) semaphore(%run_scoped3A : memref<!tpu.dma_semaphore, #tpu.memory_space<semaphore_mem>>) {add = true}
        %dma_wait3A_796 = arith.constant 0 : i32
        %dma_wait3A_797 = arith.constant 0 : i32
        %dma_wait3A_798 = tpu.memref_slice %arg30[%dma_wait3A_796, %dma_wait3A_797] : memref<10112x128xf32, #tpu.memory_space<vmem_shared>> -> memref<10112x128xf32, #tpu.memory_space<vmem_shared>>
        tpu.wait_indirect_dma semaphore(%run_scoped3A : memref<!tpu.dma_semaphore, #tpu.memory_space<semaphore_mem>>) src(%arg28 : memref<32x128xf32, #tpu.memory_space<vmem>>) dst(%dma_wait3A_798 : memref<10112x128xf32, #tpu.memory_space<vmem_shared>>)
        tpu.yield
      }) : () -> ()
      %mul3A_700 = arith.constant 2 : i32
      %mul3A_701 = arith.muli %mul3A_700, %scan3A_408 : i32
      %add3A_702 = arith.constant 2 : i32
      %add3A_703 = arith.addi %mul3A_701, %add3A_702 : i32
      %add3A_704 = arith.constant 1 : i32
      %add3A_705 = arith.addi %add3A_703, %add3A_704 : i32
      %get3A_706 = arith.index_cast %add3A_705 : i32 to index
      %get3A_707 = arith.constant 64 : index
      %get3A_708 = tpu.vector_load %arg5[%get3A_706, %get3A_707] {strides = array<i32>} : memref<80x128xi32, #tpu.memory_space<vmem>>, vector<1x16xi32>,
      %get3A_709 = vector.shape_cast %get3A_708 : vector<1x16xi32> to vector<16xi32>
      %and3A_710 = arith.constant 65535 : i32
      %and3A_711 = vector.broadcast %and3A_710 : i32 to vector<16xi32>
      %and3A_712 = arith.andi %get3A_709, %and3A_711 : vector<16xi32>
      %swap3A_713 = arith.constant 0 : index
      %swap3A_714 = tpu.vector_load %arg18[%swap3A_713] {strides = array<i32>} : memref<32xi32, #tpu.memory_space<vmem>>, vector<16xi32>,
      %swap3A_715 = vector.shape_cast %swap3A_714 : vector<16xi32> to vector<16xi32>
      %swap3A_716 = vector.shape_cast %and3A_712 : vector<16xi32> to vector<16xi32>
      tpu.vector_store %arg18[%swap3A_713], %swap3A_716 {strides = array<i32>} : memref<32xi32, #tpu.memory_space<vmem>>, vector<16xi32>,
      %shift_right_logical3A_717 = arith.constant 16 : i32
      %shift_right_logical3A_718 = vector.broadcast %shift_right_logical3A_717 : i32 to vector<16xi32>
      %shift_right_logical3A_719 = arith.shrui %get3A_709, %shift_right_logical3A_718 : vector<16xi32>
      %swap3A_720 = arith.constant 0 : index
      %swap3A_721 = tpu.vector_load %arg19[%swap3A_720] {strides = array<i32>} : memref<32xi32, #tpu.memory_space<vmem>>, vector<16xi32>,
      %swap3A_722 = vector.shape_cast %swap3A_721 : vector<16xi32> to vector<16xi32>
      %swap3A_723 = vector.shape_cast %shift_right_logical3A_719 : vector<16xi32> to vector<16xi32>
      tpu.vector_store %arg19[%swap3A_720], %swap3A_723 {strides = array<i32>} : memref<32xi32, #tpu.memory_space<vmem>>, vector<16xi32>,
      %get3A_724 = arith.index_cast %add3A_705 : i32 to index
      %get3A_725 = arith.constant 80 : index
      %get3A_726 = tpu.vector_load %arg5[%get3A_724, %get3A_725] {strides = array<i32>} : memref<80x128xi32, #tpu.memory_space<vmem>>, vector<1x16xi32>,
      %get3A_727 = vector.shape_cast %get3A_726 : vector<1x16xi32> to vector<16xi32>
      %and3A_728 = arith.constant 65535 : i32
      %and3A_729 = vector.broadcast %and3A_728 : i32 to vector<16xi32>
      %and3A_730 = arith.andi %get3A_727, %and3A_729 : vector<16xi32>
      %swap3A_731 = arith.constant 16 : index
      %swap3A_732 = tpu.vector_load %arg18[%swap3A_731] {strides = array<i32>} : memref<32xi32, #tpu.memory_space<vmem>>, vector<16xi32>,
      %swap3A_733 = vector.shape_cast %swap3A_732 : vector<16xi32> to vector<16xi32>
      %swap3A_734 = vector.shape_cast %and3A_730 : vector<16xi32> to vector<16xi32>
      tpu.vector_store %arg18[%swap3A_731], %swap3A_734 {strides = array<i32>} : memref<32xi32, #tpu.memory_space<vmem>>, vector<16xi32>,
      %shift_right_logical3A_735 = arith.constant 16 : i32
      %shift_right_logical3A_736 = vector.broadcast %shift_right_logical3A_735 : i32 to vector<16xi32>
      %shift_right_logical3A_737 = arith.shrui %get3A_727, %shift_right_logical3A_736 : vector<16xi32>
      %swap3A_738 = arith.constant 16 : index
      %swap3A_739 = tpu.vector_load %arg19[%swap3A_738] {strides = array<i32>} : memref<32xi32, #tpu.memory_space<vmem>>, vector<16xi32>,
      %swap3A_740 = vector.shape_cast %swap3A_739 : vector<16xi32> to vector<16xi32>
      %swap3A_741 = vector.shape_cast %shift_right_logical3A_737 : vector<16xi32> to vector<16xi32>
      tpu.vector_store %arg19[%swap3A_738], %swap3A_741 {strides = array<i32>} : memref<32xi32, #tpu.memory_space<vmem>>, vector<16xi32>,
      %dma_start3A_742 = arith.constant 0 : i32
      %dma_start3A_743 = arith.constant 0 : i32
      %dma_start3A_744 = tpu.memref_slice %arg3[%dma_start3A_742, %dma_start3A_743] : memref<20000x128xf32, #tpu.memory_space<hbm>> -> memref<20000x128xf32, #tpu.memory_space<hbm>>
      tpu.enqueue_indirect_dma source(%dma_start3A_744 : memref<20000x128xf32, #tpu.memory_space<hbm>>) target(%arg28 : memref<32x128xf32, #tpu.memory_space<vmem>>) offsets(%arg18 : memref<32xi32, #tpu.memory_space<vmem>>) semaphore(%arg37 : memref<!tpu.dma_semaphore, #tpu.memory_space<semaphore_mem>>)
      %dma_wait3A_745 = arith.constant 0 : i32
      %dma_wait3A_746 = arith.constant 0 : i32
      %dma_wait3A_747 = tpu.memref_slice %arg3[%dma_wait3A_745, %dma_wait3A_746] : memref<20000x128xf32, #tpu.memory_space<hbm>> -> memref<20000x128xf32, #tpu.memory_space<hbm>>
      tpu.wait_indirect_dma semaphore(%arg38 : memref<!tpu.dma_semaphore, #tpu.memory_space<semaphore_mem>>) src(%dma_wait3A_747 : memref<20000x128xf32, #tpu.memory_space<hbm>>) dst(%arg29 : memref<32x128xf32, #tpu.memory_space<vmem>>)
      "tpu.region"() ({
        %run_scoped3A = tpu.sem_alloc : memref<!tpu.dma_semaphore, #tpu.memory_space<semaphore_mem>>
        %dma_start3A_793 = arith.constant 0 : i32
        %dma_start3A_794 = arith.constant 0 : i32
        %dma_start3A_795 = tpu.memref_slice %arg30[%dma_start3A_793, %dma_start3A_794] : memref<10112x128xf32, #tpu.memory_space<vmem_shared>> -> memref<10112x128xf32, #tpu.memory_space<vmem_shared>>
        tpu.enqueue_indirect_dma source(%arg29 : memref<32x128xf32, #tpu.memory_space<vmem>>) target(%dma_start3A_795 : memref<10112x128xf32, #tpu.memory_space<vmem_shared>>) offsets(%arg21 : memref<32xi32, #tpu.memory_space<vmem>>) semaphore(%run_scoped3A : memref<!tpu.dma_semaphore, #tpu.memory_space<semaphore_mem>>) {add = true}
        %dma_wait3A_796 = arith.constant 0 : i32
        %dma_wait3A_797 = arith.constant 0 : i32
        %dma_wait3A_798 = tpu.memref_slice %arg30[%dma_wait3A_796, %dma_wait3A_797] : memref<10112x128xf32, #tpu.memory_space<vmem_shared>> -> memref<10112x128xf32, #tpu.memory_space<vmem_shared>>
        tpu.wait_indirect_dma semaphore(%run_scoped3A : memref<!tpu.dma_semaphore, #tpu.memory_space<semaphore_mem>>) src(%arg29 : memref<32x128xf32, #tpu.memory_space<vmem>>) dst(%dma_wait3A_798 : memref<10112x128xf32, #tpu.memory_space<vmem_shared>>)
        tpu.yield
      }) : () -> ()
      %mul3A_748 = arith.constant 2 : i32
      %mul3A_749 = arith.muli %mul3A_748, %scan3A_408 : i32
      %add3A_750 = arith.constant 2 : i32
      %add3A_751 = arith.addi %mul3A_749, %add3A_750 : i32
      %add3A_752 = arith.constant 1 : i32
      %add3A_753 = arith.addi %add3A_751, %add3A_752 : i32
      %get3A_754 = arith.index_cast %add3A_753 : i32 to index
      %get3A_755 = arith.constant 96 : index
      %get3A_756 = tpu.vector_load %arg5[%get3A_754, %get3A_755] {strides = array<i32>} : memref<80x128xi32, #tpu.memory_space<vmem>>, vector<1x16xi32>,
      %get3A_757 = vector.shape_cast %get3A_756 : vector<1x16xi32> to vector<16xi32>
      %and3A_758 = arith.constant 65535 : i32
      %and3A_759 = vector.broadcast %and3A_758 : i32 to vector<16xi32>
      %and3A_760 = arith.andi %get3A_757, %and3A_759 : vector<16xi32>
      %swap3A_761 = arith.constant 0 : index
      %swap3A_762 = tpu.vector_load %arg20[%swap3A_761] {strides = array<i32>} : memref<32xi32, #tpu.memory_space<vmem>>, vector<16xi32>,
      %swap3A_763 = vector.shape_cast %swap3A_762 : vector<16xi32> to vector<16xi32>
      %swap3A_764 = vector.shape_cast %and3A_760 : vector<16xi32> to vector<16xi32>
      tpu.vector_store %arg20[%swap3A_761], %swap3A_764 {strides = array<i32>} : memref<32xi32, #tpu.memory_space<vmem>>, vector<16xi32>,
      %shift_right_logical3A_765 = arith.constant 16 : i32
      %shift_right_logical3A_766 = vector.broadcast %shift_right_logical3A_765 : i32 to vector<16xi32>
      %shift_right_logical3A_767 = arith.shrui %get3A_757, %shift_right_logical3A_766 : vector<16xi32>
      %swap3A_768 = arith.constant 0 : index
      %swap3A_769 = tpu.vector_load %arg21[%swap3A_768] {strides = array<i32>} : memref<32xi32, #tpu.memory_space<vmem>>, vector<16xi32>,
      %swap3A_770 = vector.shape_cast %swap3A_769 : vector<16xi32> to vector<16xi32>
      %swap3A_771 = vector.shape_cast %shift_right_logical3A_767 : vector<16xi32> to vector<16xi32>
      tpu.vector_store %arg21[%swap3A_768], %swap3A_771 {strides = array<i32>} : memref<32xi32, #tpu.memory_space<vmem>>, vector<16xi32>,
      %get3A_772 = arith.index_cast %add3A_753 : i32 to index
      %get3A_773 = arith.constant 112 : index
      %get3A_774 = tpu.vector_load %arg5[%get3A_772, %get3A_773] {strides = array<i32>} : memref<80x128xi32, #tpu.memory_space<vmem>>, vector<1x16xi32>,
      %get3A_775 = vector.shape_cast %get3A_774 : vector<1x16xi32> to vector<16xi32>
      %and3A_776 = arith.constant 65535 : i32
      %and3A_777 = vector.broadcast %and3A_776 : i32 to vector<16xi32>
      %and3A_778 = arith.andi %get3A_775, %and3A_777 : vector<16xi32>
      %swap3A_779 = arith.constant 16 : index
      %swap3A_780 = tpu.vector_load %arg20[%swap3A_779] {strides = array<i32>} : memref<32xi32, #tpu.memory_space<vmem>>, vector<16xi32>,
      %swap3A_781 = vector.shape_cast %swap3A_780 : vector<16xi32> to vector<16xi32>
      %swap3A_782 = vector.shape_cast %and3A_778 : vector<16xi32> to vector<16xi32>
      tpu.vector_store %arg20[%swap3A_779], %swap3A_782 {strides = array<i32>} : memref<32xi32, #tpu.memory_space<vmem>>, vector<16xi32>,
      %shift_right_logical3A_783 = arith.constant 16 : i32
      %shift_right_logical3A_784 = vector.broadcast %shift_right_logical3A_783 : i32 to vector<16xi32>
      %shift_right_logical3A_785 = arith.shrui %get3A_775, %shift_right_logical3A_784 : vector<16xi32>
      %swap3A_786 = arith.constant 16 : index
      %swap3A_787 = tpu.vector_load %arg21[%swap3A_786] {strides = array<i32>} : memref<32xi32, #tpu.memory_space<vmem>>, vector<16xi32>,
      %swap3A_788 = vector.shape_cast %swap3A_787 : vector<16xi32> to vector<16xi32>
      %swap3A_789 = vector.shape_cast %shift_right_logical3A_785 : vector<16xi32> to vector<16xi32>
      tpu.vector_store %arg21[%swap3A_786], %swap3A_789 {strides = array<i32>} : memref<32xi32, #tpu.memory_space<vmem>>, vector<16xi32>,
      %dma_start3A_790 = arith.constant 0 : i32
      %dma_start3A_791 = arith.constant 0 : i32
      %dma_start3A_792 = tpu.memref_slice %arg3[%dma_start3A_790, %dma_start3A_791] : memref<20000x128xf32, #tpu.memory_space<hbm>> -> memref<20000x128xf32, #tpu.memory_space<hbm>>
      tpu.enqueue_indirect_dma source(%dma_start3A_792 : memref<20000x128xf32, #tpu.memory_space<hbm>>) target(%arg29 : memref<32x128xf32, #tpu.memory_space<vmem>>) offsets(%arg20 : memref<32xi32, #tpu.memory_space<vmem>>) semaphore(%arg38 : memref<!tpu.dma_semaphore, #tpu.memory_space<semaphore_mem>>)
    }
    %scan3A_374 = arith.constant 39 : i32
    %dma_wait3A = arith.constant 0 : i32
    %dma_wait3A_375 = arith.constant 0 : i32
    %dma_wait3A_376 = tpu.memref_slice %arg3[%dma_wait3A, %dma_wait3A_375] : memref<20000x128xf32, #tpu.memory_space<hbm>> -> memref<20000x128xf32, #tpu.memory_space<hbm>>
    tpu.wait_indirect_dma semaphore(%arg31 : memref<!tpu.dma_semaphore, #tpu.memory_space<semaphore_mem>>) src(%dma_wait3A_376 : memref<20000x128xf32, #tpu.memory_space<hbm>>) dst(%arg22 : memref<32x128xf32, #tpu.memory_space<vmem>>)
    "tpu.region"() ({
      %run_scoped3A = tpu.sem_alloc : memref<!tpu.dma_semaphore, #tpu.memory_space<semaphore_mem>>
      %dma_start3A_408 = arith.constant 0 : i32
      %dma_start3A_409 = arith.constant 0 : i32
      %dma_start3A_410 = tpu.memref_slice %arg30[%dma_start3A_408, %dma_start3A_409] : memref<10112x128xf32, #tpu.memory_space<vmem_shared>> -> memref<10112x128xf32, #tpu.memory_space<vmem_shared>>
      tpu.enqueue_indirect_dma source(%arg22 : memref<32x128xf32, #tpu.memory_space<vmem>>) target(%dma_start3A_410 : memref<10112x128xf32, #tpu.memory_space<vmem_shared>>) offsets(%arg7 : memref<32xi32, #tpu.memory_space<vmem>>) semaphore(%run_scoped3A : memref<!tpu.dma_semaphore, #tpu.memory_space<semaphore_mem>>) {add = true}
      %dma_wait3A_411 = arith.constant 0 : i32
      %dma_wait3A_412 = arith.constant 0 : i32
      %dma_wait3A_413 = tpu.memref_slice %arg30[%dma_wait3A_411, %dma_wait3A_412] : memref<10112x128xf32, #tpu.memory_space<vmem_shared>> -> memref<10112x128xf32, #tpu.memory_space<vmem_shared>>
      tpu.wait_indirect_dma semaphore(%run_scoped3A : memref<!tpu.dma_semaphore, #tpu.memory_space<semaphore_mem>>) src(%arg22 : memref<32x128xf32, #tpu.memory_space<vmem>>) dst(%dma_wait3A_413 : memref<10112x128xf32, #tpu.memory_space<vmem_shared>>)
      tpu.yield
    }) : () -> ()
    %dma_wait3A_377 = arith.constant 0 : i32
    %dma_wait3A_378 = arith.constant 0 : i32
    %dma_wait3A_379 = tpu.memref_slice %arg3[%dma_wait3A_377, %dma_wait3A_378] : memref<20000x128xf32, #tpu.memory_space<hbm>> -> memref<20000x128xf32, #tpu.memory_space<hbm>>
    tpu.wait_indirect_dma semaphore(%arg32 : memref<!tpu.dma_semaphore, #tpu.memory_space<semaphore_mem>>) src(%dma_wait3A_379 : memref<20000x128xf32, #tpu.memory_space<hbm>>) dst(%arg23 : memref<32x128xf32, #tpu.memory_space<vmem>>)
    "tpu.region"() ({
      %run_scoped3A = tpu.sem_alloc : memref<!tpu.dma_semaphore, #tpu.memory_space<semaphore_mem>>
      %dma_start3A_408 = arith.constant 0 : i32
      %dma_start3A_409 = arith.constant 0 : i32
      %dma_start3A_410 = tpu.memref_slice %arg30[%dma_start3A_408, %dma_start3A_409] : memref<10112x128xf32, #tpu.memory_space<vmem_shared>> -> memref<10112x128xf32, #tpu.memory_space<vmem_shared>>
      tpu.enqueue_indirect_dma source(%arg23 : memref<32x128xf32, #tpu.memory_space<vmem>>) target(%dma_start3A_410 : memref<10112x128xf32, #tpu.memory_space<vmem_shared>>) offsets(%arg9 : memref<32xi32, #tpu.memory_space<vmem>>) semaphore(%run_scoped3A : memref<!tpu.dma_semaphore, #tpu.memory_space<semaphore_mem>>) {add = true}
      %dma_wait3A_411 = arith.constant 0 : i32
      %dma_wait3A_412 = arith.constant 0 : i32
      %dma_wait3A_413 = tpu.memref_slice %arg30[%dma_wait3A_411, %dma_wait3A_412] : memref<10112x128xf32, #tpu.memory_space<vmem_shared>> -> memref<10112x128xf32, #tpu.memory_space<vmem_shared>>
      tpu.wait_indirect_dma semaphore(%run_scoped3A : memref<!tpu.dma_semaphore, #tpu.memory_space<semaphore_mem>>) src(%arg23 : memref<32x128xf32, #tpu.memory_space<vmem>>) dst(%dma_wait3A_413 : memref<10112x128xf32, #tpu.memory_space<vmem_shared>>)
      tpu.yield
    }) : () -> ()
    %dma_wait3A_380 = arith.constant 0 : i32
    %dma_wait3A_381 = arith.constant 0 : i32
    %dma_wait3A_382 = tpu.memref_slice %arg3[%dma_wait3A_380, %dma_wait3A_381] : memref<20000x128xf32, #tpu.memory_space<hbm>> -> memref<20000x128xf32, #tpu.memory_space<hbm>>
    tpu.wait_indirect_dma semaphore(%arg33 : memref<!tpu.dma_semaphore, #tpu.memory_space<semaphore_mem>>) src(%dma_wait3A_382 : memref<20000x128xf32, #tpu.memory_space<hbm>>) dst(%arg24 : memref<32x128xf32, #tpu.memory_space<vmem>>)
    "tpu.region"() ({
      %run_scoped3A = tpu.sem_alloc : memref<!tpu.dma_semaphore, #tpu.memory_space<semaphore_mem>>
      %dma_start3A_408 = arith.constant 0 : i32
      %dma_start3A_409 = arith.constant 0 : i32
      %dma_start3A_410 = tpu.memref_slice %arg30[%dma_start3A_408, %dma_start3A_409] : memref<10112x128xf32, #tpu.memory_space<vmem_shared>> -> memref<10112x128xf32, #tpu.memory_space<vmem_shared>>
      tpu.enqueue_indirect_dma source(%arg24 : memref<32x128xf32, #tpu.memory_space<vmem>>) target(%dma_start3A_410 : memref<10112x128xf32, #tpu.memory_space<vmem_shared>>) offsets(%arg11 : memref<32xi32, #tpu.memory_space<vmem>>) semaphore(%run_scoped3A : memref<!tpu.dma_semaphore, #tpu.memory_space<semaphore_mem>>) {add = true}
      %dma_wait3A_411 = arith.constant 0 : i32
      %dma_wait3A_412 = arith.constant 0 : i32
      %dma_wait3A_413 = tpu.memref_slice %arg30[%dma_wait3A_411, %dma_wait3A_412] : memref<10112x128xf32, #tpu.memory_space<vmem_shared>> -> memref<10112x128xf32, #tpu.memory_space<vmem_shared>>
      tpu.wait_indirect_dma semaphore(%run_scoped3A : memref<!tpu.dma_semaphore, #tpu.memory_space<semaphore_mem>>) src(%arg24 : memref<32x128xf32, #tpu.memory_space<vmem>>) dst(%dma_wait3A_413 : memref<10112x128xf32, #tpu.memory_space<vmem_shared>>)
      tpu.yield
    }) : () -> ()
    %dma_wait3A_383 = arith.constant 0 : i32
    %dma_wait3A_384 = arith.constant 0 : i32
    %dma_wait3A_385 = tpu.memref_slice %arg3[%dma_wait3A_383, %dma_wait3A_384] : memref<20000x128xf32, #tpu.memory_space<hbm>> -> memref<20000x128xf32, #tpu.memory_space<hbm>>
    tpu.wait_indirect_dma semaphore(%arg34 : memref<!tpu.dma_semaphore, #tpu.memory_space<semaphore_mem>>) src(%dma_wait3A_385 : memref<20000x128xf32, #tpu.memory_space<hbm>>) dst(%arg25 : memref<32x128xf32, #tpu.memory_space<vmem>>)
    "tpu.region"() ({
      %run_scoped3A = tpu.sem_alloc : memref<!tpu.dma_semaphore, #tpu.memory_space<semaphore_mem>>
      %dma_start3A_408 = arith.constant 0 : i32
      %dma_start3A_409 = arith.constant 0 : i32
      %dma_start3A_410 = tpu.memref_slice %arg30[%dma_start3A_408, %dma_start3A_409] : memref<10112x128xf32, #tpu.memory_space<vmem_shared>> -> memref<10112x128xf32, #tpu.memory_space<vmem_shared>>
      tpu.enqueue_indirect_dma source(%arg25 : memref<32x128xf32, #tpu.memory_space<vmem>>) target(%dma_start3A_410 : memref<10112x128xf32, #tpu.memory_space<vmem_shared>>) offsets(%arg13 : memref<32xi32, #tpu.memory_space<vmem>>) semaphore(%run_scoped3A : memref<!tpu.dma_semaphore, #tpu.memory_space<semaphore_mem>>) {add = true}
      %dma_wait3A_411 = arith.constant 0 : i32
      %dma_wait3A_412 = arith.constant 0 : i32
      %dma_wait3A_413 = tpu.memref_slice %arg30[%dma_wait3A_411, %dma_wait3A_412] : memref<10112x128xf32, #tpu.memory_space<vmem_shared>> -> memref<10112x128xf32, #tpu.memory_space<vmem_shared>>
      tpu.wait_indirect_dma semaphore(%run_scoped3A : memref<!tpu.dma_semaphore, #tpu.memory_space<semaphore_mem>>) src(%arg25 : memref<32x128xf32, #tpu.memory_space<vmem>>) dst(%dma_wait3A_413 : memref<10112x128xf32, #tpu.memory_space<vmem_shared>>)
      tpu.yield
    }) : () -> ()
    %dma_wait3A_386 = arith.constant 0 : i32
    %dma_wait3A_387 = arith.constant 0 : i32
    %dma_wait3A_388 = tpu.memref_slice %arg3[%dma_wait3A_386, %dma_wait3A_387] : memref<20000x128xf32, #tpu.memory_space<hbm>> -> memref<20000x128xf32, #tpu.memory_space<hbm>>
    tpu.wait_indirect_dma semaphore(%arg35 : memref<!tpu.dma_semaphore, #tpu.memory_space<semaphore_mem>>) src(%dma_wait3A_388 : memref<20000x128xf32, #tpu.memory_space<hbm>>) dst(%arg26 : memref<32x128xf32, #tpu.memory_space<vmem>>)
    "tpu.region"() ({
      %run_scoped3A = tpu.sem_alloc : memref<!tpu.dma_semaphore, #tpu.memory_space<semaphore_mem>>
      %dma_start3A_408 = arith.constant 0 : i32
      %dma_start3A_409 = arith.constant 0 : i32
      %dma_start3A_410 = tpu.memref_slice %arg30[%dma_start3A_408, %dma_start3A_409] : memref<10112x128xf32, #tpu.memory_space<vmem_shared>> -> memref<10112x128xf32, #tpu.memory_space<vmem_shared>>
      tpu.enqueue_indirect_dma source(%arg26 : memref<32x128xf32, #tpu.memory_space<vmem>>) target(%dma_start3A_410 : memref<10112x128xf32, #tpu.memory_space<vmem_shared>>) offsets(%arg15 : memref<32xi32, #tpu.memory_space<vmem>>) semaphore(%run_scoped3A : memref<!tpu.dma_semaphore, #tpu.memory_space<semaphore_mem>>) {add = true}
      %dma_wait3A_411 = arith.constant 0 : i32
      %dma_wait3A_412 = arith.constant 0 : i32
      %dma_wait3A_413 = tpu.memref_slice %arg30[%dma_wait3A_411, %dma_wait3A_412] : memref<10112x128xf32, #tpu.memory_space<vmem_shared>> -> memref<10112x128xf32, #tpu.memory_space<vmem_shared>>
      tpu.wait_indirect_dma semaphore(%run_scoped3A : memref<!tpu.dma_semaphore, #tpu.memory_space<semaphore_mem>>) src(%arg26 : memref<32x128xf32, #tpu.memory_space<vmem>>) dst(%dma_wait3A_413 : memref<10112x128xf32, #tpu.memory_space<vmem_shared>>)
      tpu.yield
    }) : () -> ()
    %dma_wait3A_389 = arith.constant 0 : i32
    %dma_wait3A_390 = arith.constant 0 : i32
    %dma_wait3A_391 = tpu.memref_slice %arg3[%dma_wait3A_389, %dma_wait3A_390] : memref<20000x128xf32, #tpu.memory_space<hbm>> -> memref<20000x128xf32, #tpu.memory_space<hbm>>
    tpu.wait_indirect_dma semaphore(%arg36 : memref<!tpu.dma_semaphore, #tpu.memory_space<semaphore_mem>>) src(%dma_wait3A_391 : memref<20000x128xf32, #tpu.memory_space<hbm>>) dst(%arg27 : memref<32x128xf32, #tpu.memory_space<vmem>>)
    "tpu.region"() ({
      %run_scoped3A = tpu.sem_alloc : memref<!tpu.dma_semaphore, #tpu.memory_space<semaphore_mem>>
      %dma_start3A_408 = arith.constant 0 : i32
      %dma_start3A_409 = arith.constant 0 : i32
      %dma_start3A_410 = tpu.memref_slice %arg30[%dma_start3A_408, %dma_start3A_409] : memref<10112x128xf32, #tpu.memory_space<vmem_shared>> -> memref<10112x128xf32, #tpu.memory_space<vmem_shared>>
      tpu.enqueue_indirect_dma source(%arg27 : memref<32x128xf32, #tpu.memory_space<vmem>>) target(%dma_start3A_410 : memref<10112x128xf32, #tpu.memory_space<vmem_shared>>) offsets(%arg17 : memref<32xi32, #tpu.memory_space<vmem>>) semaphore(%run_scoped3A : memref<!tpu.dma_semaphore, #tpu.memory_space<semaphore_mem>>) {add = true}
      %dma_wait3A_411 = arith.constant 0 : i32
      %dma_wait3A_412 = arith.constant 0 : i32
      %dma_wait3A_413 = tpu.memref_slice %arg30[%dma_wait3A_411, %dma_wait3A_412] : memref<10112x128xf32, #tpu.memory_space<vmem_shared>> -> memref<10112x128xf32, #tpu.memory_space<vmem_shared>>
      tpu.wait_indirect_dma semaphore(%run_scoped3A : memref<!tpu.dma_semaphore, #tpu.memory_space<semaphore_mem>>) src(%arg27 : memref<32x128xf32, #tpu.memory_space<vmem>>) dst(%dma_wait3A_413 : memref<10112x128xf32, #tpu.memory_space<vmem_shared>>)
      tpu.yield
    }) : () -> ()
    %dma_wait3A_392 = arith.constant 0 : i32
    %dma_wait3A_393 = arith.constant 0 : i32
    %dma_wait3A_394 = tpu.memref_slice %arg3[%dma_wait3A_392, %dma_wait3A_393] : memref<20000x128xf32, #tpu.memory_space<hbm>> -> memref<20000x128xf32, #tpu.memory_space<hbm>>
    tpu.wait_indirect_dma semaphore(%arg37 : memref<!tpu.dma_semaphore, #tpu.memory_space<semaphore_mem>>) src(%dma_wait3A_394 : memref<20000x128xf32, #tpu.memory_space<hbm>>) dst(%arg28 : memref<32x128xf32, #tpu.memory_space<vmem>>)
    "tpu.region"() ({
      %run_scoped3A = tpu.sem_alloc : memref<!tpu.dma_semaphore, #tpu.memory_space<semaphore_mem>>
      %dma_start3A_408 = arith.constant 0 : i32
      %dma_start3A_409 = arith.constant 0 : i32
      %dma_start3A_410 = tpu.memref_slice %arg30[%dma_start3A_408, %dma_start3A_409] : memref<10112x128xf32, #tpu.memory_space<vmem_shared>> -> memref<10112x128xf32, #tpu.memory_space<vmem_shared>>
      tpu.enqueue_indirect_dma source(%arg28 : memref<32x128xf32, #tpu.memory_space<vmem>>) target(%dma_start3A_410 : memref<10112x128xf32, #tpu.memory_space<vmem_shared>>) offsets(%arg19 : memref<32xi32, #tpu.memory_space<vmem>>) semaphore(%run_scoped3A : memref<!tpu.dma_semaphore, #tpu.memory_space<semaphore_mem>>) {add = true}
      %dma_wait3A_411 = arith.constant 0 : i32
      %dma_wait3A_412 = arith.constant 0 : i32
      %dma_wait3A_413 = tpu.memref_slice %arg30[%dma_wait3A_411, %dma_wait3A_412] : memref<10112x128xf32, #tpu.memory_space<vmem_shared>> -> memref<10112x128xf32, #tpu.memory_space<vmem_shared>>
      tpu.wait_indirect_dma semaphore(%run_scoped3A : memref<!tpu.dma_semaphore, #tpu.memory_space<semaphore_mem>>) src(%arg28 : memref<32x128xf32, #tpu.memory_space<vmem>>) dst(%dma_wait3A_413 : memref<10112x128xf32, #tpu.memory_space<vmem_shared>>)
      tpu.yield
    }) : () -> ()
    %dma_wait3A_395 = arith.constant 0 : i32
    %dma_wait3A_396 = arith.constant 0 : i32
    %dma_wait3A_397 = tpu.memref_slice %arg3[%dma_wait3A_395, %dma_wait3A_396] : memref<20000x128xf32, #tpu.memory_space<hbm>> -> memref<20000x128xf32, #tpu.memory_space<hbm>>
    tpu.wait_indirect_dma semaphore(%arg38 : memref<!tpu.dma_semaphore, #tpu.memory_space<semaphore_mem>>) src(%dma_wait3A_397 : memref<20000x128xf32, #tpu.memory_space<hbm>>) dst(%arg29 : memref<32x128xf32, #tpu.memory_space<vmem>>)
    "tpu.region"() ({
      %run_scoped3A = tpu.sem_alloc : memref<!tpu.dma_semaphore, #tpu.memory_space<semaphore_mem>>
      %dma_start3A_408 = arith.constant 0 : i32
      %dma_start3A_409 = arith.constant 0 : i32
      %dma_start3A_410 = tpu.memref_slice %arg30[%dma_start3A_408, %dma_start3A_409] : memref<10112x128xf32, #tpu.memory_space<vmem_shared>> -> memref<10112x128xf32, #tpu.memory_space<vmem_shared>>
      tpu.enqueue_indirect_dma source(%arg29 : memref<32x128xf32, #tpu.memory_space<vmem>>) target(%dma_start3A_410 : memref<10112x128xf32, #tpu.memory_space<vmem_shared>>) offsets(%arg21 : memref<32xi32, #tpu.memory_space<vmem>>) semaphore(%run_scoped3A : memref<!tpu.dma_semaphore, #tpu.memory_space<semaphore_mem>>) {add = true}
      %dma_wait3A_411 = arith.constant 0 : i32
      %dma_wait3A_412 = arith.constant 0 : i32
      %dma_wait3A_413 = tpu.memref_slice %arg30[%dma_wait3A_411, %dma_wait3A_412] : memref<10112x128xf32, #tpu.memory_space<vmem_shared>> -> memref<10112x128xf32, #tpu.memory_space<vmem_shared>>
      tpu.wait_indirect_dma semaphore(%run_scoped3A : memref<!tpu.dma_semaphore, #tpu.memory_space<semaphore_mem>>) src(%arg29 : memref<32x128xf32, #tpu.memory_space<vmem>>) dst(%dma_wait3A_413 : memref<10112x128xf32, #tpu.memory_space<vmem_shared>>)
      tpu.yield
    }) : () -> ()
    %barrier3A_398 = arith.constant 0 : index
    tpu.barrier barrier_id(%barrier3A_398)
    %mul3A_399 = arith.constant 624 : i32
    %mul3A_400 = arith.muli %arg1, %mul3A_399 : i32
    %mul3A_401 = arith.constant 10000 : i32
    %mul3A_402 = arith.muli %arg0, %mul3A_401 : i32
    %mul3A_403 = arith.constant 624 : i32
    %mul3A_404 = arith.muli %arg1, %mul3A_403 : i32
    %add3A_405 = arith.addi %mul3A_402, %mul3A_404 : i32
    "tpu.region"() ({
      %run_scoped3A = tpu.sem_alloc : memref<!tpu.dma_semaphore, #tpu.memory_space<semaphore_mem>>
      %dma_start3A_408 = arith.constant 0 : i32
      %dma_start3A_409 = tpu.memref_slice %arg4[%add3A_405, %dma_start3A_408] : memref<20000x128xf32, #tpu.memory_space<hbm>> -> memref<624x128xf32, #tpu.memory_space<hbm>>
      %dma_start3A_410 = arith.constant 0 : i32
      %dma_start3A_411 = tpu.memref_slice %arg30[%mul3A_400, %dma_start3A_410] : memref<10112x128xf32, #tpu.memory_space<vmem_shared>> -> memref<624x128xf32, #tpu.memory_space<vmem_shared>>
      tpu.enqueue_dma source(%dma_start3A_411 : memref<624x128xf32, #tpu.memory_space<vmem_shared>>) target(%dma_start3A_409 : memref<624x128xf32, #tpu.memory_space<hbm>>) target_semaphore(%run_scoped3A : memref<!tpu.dma_semaphore, #tpu.memory_space<semaphore_mem>>)
      %dma_wait3A_412 = arith.constant 0 : i32
      %dma_wait3A_413 = tpu.memref_slice %arg4[%add3A_405, %dma_wait3A_412] : memref<20000x128xf32, #tpu.memory_space<hbm>> -> memref<624x128xf32, #tpu.memory_space<hbm>>
      %dma_wait3A_414 = arith.constant 0 : i32
      %dma_wait3A_415 = tpu.memref_slice %arg30[%mul3A_400, %dma_wait3A_414] : memref<10112x128xf32, #tpu.memory_space<vmem_shared>> -> memref<624x128xf32, #tpu.memory_space<vmem_shared>>
      tpu.wait_dma2 semaphore(%run_scoped3A : memref<!tpu.dma_semaphore, #tpu.memory_space<semaphore_mem>>) src(%dma_wait3A_415 : memref<624x128xf32, #tpu.memory_space<vmem_shared>>) dst(%dma_wait3A_413 : memref<624x128xf32, #tpu.memory_space<hbm>>)
      tpu.yield
    }) : () -> ()
    %eq3A = arith.constant 0 : i32
    %eq3A_406 = arith.cmpi eq, %arg1, %eq3A : i32
    %convert_element_type3A = arith.extui %eq3A_406 : i1 to i32
    %cond3A = arith.constant 0 : i32
    %cond3A_407 = arith.cmpi ne, %convert_element_type3A, %cond3A : i32
    scf.if %cond3A_407 {
      %mul3A_408 = arith.constant 10000 : i32
      %mul3A_409 = arith.muli %arg0, %mul3A_408 : i32
      %add3A_410 = arith.constant 9984 : i32
      %add3A_411 = arith.addi %mul3A_409, %add3A_410 : i32
      "tpu.region"() ({
        %run_scoped3A = tpu.sem_alloc : memref<!tpu.dma_semaphore, #tpu.memory_space<semaphore_mem>>
        %dma_start3A_412 = arith.constant 0 : i32
        %dma_start3A_413 = tpu.memref_slice %arg4[%add3A_411, %dma_start3A_412] : memref<20000x128xf32, #tpu.memory_space<hbm>> -> memref<16x128xf32, #tpu.memory_space<hbm>>
        %dma_start3A_414 = arith.constant 9984 : i32
        %dma_start3A_415 = arith.constant 0 : i32
        %dma_start3A_416 = tpu.memref_slice %arg30[%dma_start3A_414, %dma_start3A_415] : memref<10112x128xf32, #tpu.memory_space<vmem_shared>> -> memref<16x128xf32, #tpu.memory_space<vmem_shared>>
        tpu.enqueue_dma source(%dma_start3A_416 : memref<16x128xf32, #tpu.memory_space<vmem_shared>>) target(%dma_start3A_413 : memref<16x128xf32, #tpu.memory_space<hbm>>) target_semaphore(%run_scoped3A : memref<!tpu.dma_semaphore, #tpu.memory_space<semaphore_mem>>)
        %dma_wait3A_417 = arith.constant 0 : i32
        %dma_wait3A_418 = tpu.memref_slice %arg4[%add3A_411, %dma_wait3A_417] : memref<20000x128xf32, #tpu.memory_space<hbm>> -> memref<16x128xf32, #tpu.memory_space<hbm>>
        %dma_wait3A_419 = arith.constant 9984 : i32
        %dma_wait3A_420 = arith.constant 0 : i32
        %dma_wait3A_421 = tpu.memref_slice %arg30[%dma_wait3A_419, %dma_wait3A_420] : memref<10112x128xf32, #tpu.memory_space<vmem_shared>> -> memref<16x128xf32, #tpu.memory_space<vmem_shared>>
        tpu.wait_dma2 semaphore(%run_scoped3A : memref<!tpu.dma_semaphore, #tpu.memory_space<semaphore_mem>>) src(%dma_wait3A_421 : memref<16x128xf32, #tpu.memory_space<vmem_shared>>) dst(%dma_wait3A_418 : memref<16x128xf32, #tpu.memory_space<hbm>>)
        tpu.yield
      }) : () -> ()
    } else {
    }
    return
  }
}

module attributes {stable_mosaic.version = 14 : i64} {
  func.func @_mm_body(%arg0: i32, %arg1: memref<1000x128xf32, #tpu.memory_space<vmem>>, %arg2: memref<1000x128xf32, #tpu.memory_space<vmem>>, %arg3: memref<128x256xf32, #tpu.memory_space<vmem>>, %arg4: memref<128x256xf32, #tpu.memory_space<vmem>>, %arg5: memref<1x256xf32, #tpu.memory_space<vmem>>, %arg6: memref<1000x256xf32, #tpu.memory_space<vmem>>) attributes {dimension_semantics = [#tpu.dimension_semantics<arbitrary>], iteration_bounds = array<i64: 10>, scalar_prefetch = 0 : i64, scratch_operands = 0 : i64, tpu.core_type = #tpu.core_type<tc>, window_params = [{transform_indices = @transform_0, window_bounds = array<i64: 1000, 128>}, {transform_indices = @transform_1, window_bounds = array<i64: 1000, 128>}, {transform_indices = @transform_2, window_bounds = array<i64: 128, 256>}, {transform_indices = @transform_3, window_bounds = array<i64: 128, 256>}, {pipeline_mode = #tpu.pipeline_mode<synchronous>, transform_indices = @transform_4, window_bounds = array<i64: 1, 256>}, {transform_indices = @transform_5, window_bounds = array<i64: 1000, 256>}]} {
    %get3A = arith.constant 0 : index
    %get3A_0 = arith.constant 0 : index
    %get3A_1 = vector.load %arg1[%get3A, %get3A_0] : memref<1000x128xf32, #tpu.memory_space<vmem>>, vector<1000x128xf32>
    %get3A_2 = arith.constant 0 : index
    %get3A_3 = arith.constant 0 : index
    %get3A_4 = vector.load %arg3[%get3A_2, %get3A_3] : memref<128x256xf32, #tpu.memory_space<vmem>>, vector<128x256xf32>
    %dot_general3A = arith.constant dense<0.000000e+00> : vector<1000x256xf32>
    %dot_general3A_5 = tpu.matmul %get3A_1, %get3A_4, %dot_general3A {dimension_numbers = #tpu.dot_dimension_numbers<[1], [0], [0], [1], [0, 0, 1, 1], [], []>, transpose_lhs_hint = false} : vector<1000x128xf32>, vector<128x256xf32>, vector<1000x256xf32> -> vector<1000x256xf32>
    %get3A_6 = arith.constant 0 : index
    %get3A_7 = arith.constant 0 : index
    %get3A_8 = vector.load %arg2[%get3A_6, %get3A_7] : memref<1000x128xf32, #tpu.memory_space<vmem>>, vector<1000x128xf32>
    %get3A_9 = arith.constant 0 : index
    %get3A_10 = arith.constant 0 : index
    %get3A_11 = vector.load %arg4[%get3A_9, %get3A_10] : memref<128x256xf32, #tpu.memory_space<vmem>>, vector<128x256xf32>
    %dot_general3A_12 = arith.constant dense<0.000000e+00> : vector<1000x256xf32>
    %dot_general3A_13 = tpu.matmul %get3A_8, %get3A_11, %dot_general3A_12 {dimension_numbers = #tpu.dot_dimension_numbers<[1], [0], [0], [1], [0, 0, 1, 1], [], []>, transpose_lhs_hint = false} : vector<1000x128xf32>, vector<128x256xf32>, vector<1000x256xf32> -> vector<1000x256xf32>
    %add3A = arith.addf %dot_general3A_5, %dot_general3A_13 : vector<1000x256xf32>
    %get3A_14 = arith.constant 0 : index
    %get3A_15 = arith.constant 0 : index
    %get3A_16 = vector.load %arg5[%get3A_14, %get3A_15] : memref<1x256xf32, #tpu.memory_space<vmem>>, vector<1x256xf32>
    %add3A_17 = vector.broadcast %get3A_16 : vector<1x256xf32> to vector<1000x256xf32>
    %add3A_18 = arith.addf %add3A, %add3A_17 : vector<1000x256xf32>
    %swap3A = arith.constant 0 : index
    %swap3A_19 = arith.constant 0 : index
    %swap3A_20 = vector.load %arg6[%swap3A, %swap3A_19] : memref<1000x256xf32, #tpu.memory_space<vmem>>, vector<1000x256xf32>
    tpu.vector_store %arg6[%swap3A, %swap3A_19], %add3A_18 {strides = array<i32>} : memref<1000x256xf32, #tpu.memory_space<vmem>>, vector<1000x256xf32>,
    return
  }
  func.func @transform_0(%arg0: i32) -> (i32, i32) {
    %c0_i32 = arith.constant 0 : i32
    %c0_i32_0 = arith.constant 0 : i32
    return %arg0, %c0_i32 : i32, i32
  }
  func.func @transform_1(%arg0: i32) -> (i32, i32) {
    %add3A = arith.constant 10 : i32
    %add3A_0 = arith.addi %arg0, %add3A : i32
    %c0_i32 = arith.constant 0 : i32
    %c0_i32_1 = arith.constant 0 : i32
    return %add3A_0, %c0_i32 : i32, i32
  }
  func.func @transform_2(%arg0: i32) -> (i32, i32) {
    %c0_i32 = arith.constant 0 : i32
    %c0_i32_0 = arith.constant 0 : i32
    %c0_i32_1 = arith.constant 0 : i32
    return %c0_i32, %c0_i32_0 : i32, i32
  }
  func.func @transform_3(%arg0: i32) -> (i32, i32) {
    %c1_i32 = arith.constant 1 : i32
    %c0_i32 = arith.constant 0 : i32
    %c0_i32_0 = arith.constant 0 : i32
    return %c1_i32, %c0_i32 : i32, i32
  }
  func.func @transform_4(%arg0: i32) -> (i32, i32) {
    %c0_i32 = arith.constant 0 : i32
    %c0_i32_0 = arith.constant 0 : i32
    %c0_i32_1 = arith.constant 0 : i32
    return %c0_i32, %c0_i32_0 : i32, i32
  }
  func.func @transform_5(%arg0: i32) -> (i32, i32) {
    %c0_i32 = arith.constant 0 : i32
    %c0_i32_0 = arith.constant 0 : i32
    return %arg0, %c0_i32 : i32, i32
  }
}

</mosaic_0001>

<sc_bundles>
// kernel: kernel.4.cloned.1.call-start
scs
__scs_entry_jumppad:
0x0: {  	(pc) =	sbr.rel $0x88, $3  }
0x1: {  	(tag) =	ssettag $0x0;
	lr =	simm.s32 $0x1  }
0x2: {  	[smem:$0x3F9D] =	sst lr;
	_ =	strace $0xD0000000  }
0x3: {  	_ = 	snop  }
0x4: {  	_ = 	snop  }
0x5: {  	_ = 	snop  }
0x6: {  	_ = 	snop  }
0x7: {  	_ = 	snop  }
__scs_overlays_trampoline_lowered:
0x8: {  	[smem:$0x3FAC] =	sst s0  }
0x9: {  	[smem:$0x3FAD] =	sst s1  }
0xa: {  	[smem:$0x3FAE] =	sst s2  }
0xb: {  	[smem:$0x3FAF] =	sst s3  }
0xc: {  	[smem:$0x3FB0] =	sst s4  }
0xd: {  	[smem:$0x3FB1] =	sst s5  }
0xe: {  	[smem:$0x3FB2] =	sst s6  }
0xf: {  	[smem:$0x3FB3] =	sst s7  }
0x10: {  	[smem:$0x3FB4] =	sst s8  }
0x11: {  	[smem:$0x3FB5] =	sst s9;
	s0 =	simm.s32 @!p0 $0x0  }
0x12: {  	s1 =	sld [smem:$0x3F9B];
	s0 =	simm.s32 @p0 $0x1  }
0x13: {  	[smem:$0x3FB6] =	sst s0;
	s0 =	simm.s32 @!p1 $0x0  }
0x14: {  	s2 =	sld [smem:$0x3F9A];
	s0 =	simm.s32 @p1 $0x1  }
0x15: {  	[smem:$0x3FB7] =	sst s0;
	s0 =	simm.s32 @!p2 $0x0  }
0x16: {  	s3 =	sld [smem:$0x3FDB];
	s0 =	simm.s32 @p2 $0x1  }
0x17: {  	s4 =	simm.s32 $0x1BF5;
	[smem:$0x3FB9] =	sst s0  }
0x18: {  	s0 =	sld [smem:$0x3F9C];
	_ =	swait.ge [sflag:s4], $0x0  }
0x19: {  	s7 =	sld [smem:$0x3F9D]  }
0x1a: {  	s8 =	sadd.s32 $0xFFFFE003, lr  }
0x1b: {  	s9 =	sadd.s32 $0xFFFFFEF7, lr;
	s5 =	simm.s32 $0xFFFFFFFF;
	p2 =	slt.u32 s8, $0xFFFFF086  }
0x1c: {  	p1 =	slt.u32 s9, $0xF7A;
	s5 =	simm.s32 @!p2 $0x0  }
0x1d: {  	s5 =	simm.s32 @p1 $0x1;
	p0 =	seq.s32 s7, s2  }
0x1e: {  	s7 =	smul.u32 @!p0 $0xF7A, s2;
	p2 =	seq.s32 @!p0 s5, $0x0  }
0x1f: {  	s9 =	smul.u32 $0xF7A, s1;
	s8 =	simm.s32 @!p0 $0x1BF5;
	p2 =	por !p2, p0  }
0x20: {  	[sflag:s8] =	ssyncset.s32 @!p0 $0xFFFFF086;
	s6 =	sadd.s32 @!p0 s3, s7;
	s7 =	simm.s32 @!p0 $0x108  }
0x21: {  	s3 =	sadd.s32 s3, s9;
	s6 =	sadd.s32 @!p0 $0x88, s6;
	s7 =	simm.s32 @p2 $0x1082  }
0x22: {  	[simem:s7], [sflag:s8] =	dma.local @!p0 [hbm:s6], $0xF7A  }
0x23: {  	s9 =	sor.u32 $0xD0000000, s2;
	s6 =	simm.s32 $0x108;
	_ =	swait.ge @!p0 [sflag:s8], $0x0  }
0x24: {  	s3 =	sadd.s32 $0x88, s3;
	s6 =	simm.s32 @!p1 $0x1082;
	[sflag:s4] =	ssyncset.s32 $0xFFFFF086  }
0x25: {  	[simem:s6], [sflag:s4] =	dma.local [hbm:s3], $0xF7A  }
0x26: {  	[smem:$0x3F9D] =	sst s1;
	(tag) =	ssettag s2;
	_ =	strace s9  }
0x27: {  	s1 =	sld [smem:$0x3FAD]  }
0x28: {  	s2 =	sld [smem:$0x3FAE]  }
0x29: {  	s4 =	sld [smem:$0x3FB0]  }
0x2a: {  	p0 =	seq.s32 s5, $0x0;
	s5 =	sld [smem:$0x3FB1]  }
0x2b: {  	s6 =	sld [smem:$0x3FB2]  }
0x2c: {  	s7 =	sld [smem:$0x3FB3]  }
0x2d: {  	s3 =	simm.s32 $0x108;
	s8 =	sld [smem:$0x3FB4]  }
0x2e: {  	s3 =	simm.s32 @!p0 $0x1082;
	s9 =	sld [smem:$0x3FB5]  }
0x2f: {  	lr =	sadd.s32 s0, s3;
	s0 =	sld [smem:$0x3FAC]  }
0x30: {  	s3 =	sld [smem:$0x3FAF]  }
0x31: {  	[smem:$0x3FB8] =	sst s10  }
0x32: {  	s10 =	sld [smem:$0x3FB6];
	_ =	sdelay $0x3  }
0x33: {  	p0 =	seq.s32 s10, $0x1;
	s10 =	sld [smem:$0x3FB8];
	_ =	sdelay $0x3  }
0x34: {  	[smem:$0x3FB8] =	sst s10  }
0x35: {  	s10 =	sld [smem:$0x3FB7];
	_ =	sdelay $0x3  }
0x36: {  	p1 =	seq.s32 s10, $0x1;
	s10 =	sld [smem:$0x3FB8];
	_ =	sdelay $0x3  }
0x37: {  	[smem:$0x3FB8] =	sst s10  }
0x38: {  	s10 =	sld [smem:$0x3FB9]  }
0x39: {  	_ = 	snop;
	(pc) =	sbr.ind lr, $3  }
0x3a: {  	_ = 	snop  }
0x3b: {  	_ = 	snop  }
0x3c: {  	p2 =	seq.s32 s10, $0x1;
	s10 =	sld [smem:$0x3FB8]  }
0x3d: {  	_ =	shalt  }
0x3e: {  	_ =	shalt  }
0x3f: {  	_ =	shalt  }
0x40: {  	_ =	shalt  }
0x41: {  	_ =	shalt  }
0x42: {  	_ =	shalt  }
0x43: {  	_ =	shalt  }
0x44: {  	_ =	shalt  }
0x45: {  	_ =	shalt  }
0x46: {  	_ =	shalt  }
0x47: {  	_ =	shalt  }
0x48: {  	_ =	shalt  }
0x49: {  	_ =	shalt  }
0x4a: {  	_ =	shalt  }
0x4b: {  	_ =	shalt  }
0x4c: {  	_ =	shalt  }
0x4d: {  	_ =	shalt  }
0x4e: {  	_ =	shalt  }
0x4f: {  	_ =	shalt  }
0x50: {  	_ =	shalt  }
0x51: {  	_ =	shalt  }
0x52: {  	_ =	shalt  }
0x53: {  	_ =	shalt  }
0x54: {  	_ =	shalt  }
0x55: {  	_ =	shalt  }
0x56: {  	_ =	shalt  }
0x57: {  	_ =	shalt  }
0x58: {  	_ =	shalt  }
0x59: {  	_ =	shalt  }
0x5a: {  	_ =	shalt  }
0x5b: {  	_ =	shalt  }
0x5c: {  	_ =	shalt  }
0x5d: {  	_ =	shalt  }
0x5e: {  	_ =	shalt  }
0x5f: {  	_ =	shalt  }
0x60: {  	_ =	shalt  }
0x61: {  	_ =	shalt  }
0x62: {  	_ =	shalt  }
0x63: {  	_ =	shalt  }
0x64: {  	_ =	shalt  }
0x65: {  	_ =	shalt  }
0x66: {  	_ =	shalt  }
0x67: {  	_ =	shalt  }
0x68: {  	_ =	shalt  }
0x69: {  	_ =	shalt  }
0x6a: {  	_ =	shalt  }
0x6b: {  	_ =	shalt  }
0x6c: {  	_ =	shalt  }
0x6d: {  	_ =	shalt  }
0x6e: {  	_ =	shalt  }
0x6f: {  	_ =	shalt  }
0x70: {  	_ =	shalt  }
0x71: {  	_ =	shalt  }
0x72: {  	_ =	shalt  }
0x73: {  	_ =	shalt  }
0x74: {  	_ =	shalt  }
0x75: {  	_ =	shalt  }
0x76: {  	_ =	shalt  }
0x77: {  	_ =	shalt  }
0x78: {  	_ =	shalt  }
0x79: {  	_ =	shalt  }
0x7a: {  	_ =	shalt  }
0x7b: {  	_ =	shalt  }
0x7c: {  	_ =	shalt  }
0x7d: {  	_ =	shalt  }
0x7e: {  	_ =	shalt  }
0x7f: {  	_ =	shalt  }
0x80: {  	_ =	shalt  }
0x81: {  	_ =	shalt  }
0x82: {  	_ =	shalt  }
0x83: {  	_ =	shalt  }
0x84: {  	_ =	shalt  }
0x85: {  	_ =	shalt  }
0x86: {  	_ =	shalt  }
0x87: {  	_ =	shalt  }
.Lfunc_end0:
.L_simem_size_0:
called_computation_lowered:
.L_overlay_start_0:
0x88: {  	s2 =	sld [smem:$0x3FD9]  }
0x89: {  	s3 =	sld [smem:$0x3FFE];
	_ =	sdelay $0x1  }
0x8a: {  	s1 =	srdreg.scid  }
0x8b: {  	s0 =	sand.u32 $0x1, s1  }
0x8c: {  	s17 =	sshll.u32 s0, $0xA;
	s2 =	sadd.s32 s3, s2  }
0x8d: {  	s2 =	sadd.s32 s2, s17  }
0x8e: {  	[smem:$0x3FC4] =	sst s2  }
0x8f: {  	_ = 	snop  }
0x90: {  	s2 =	sld [smem:$0x3FD0];
	(tm) =	ssettm $0x1  }
0x91: {  	s18 =	sld [smem:$0x3FFB];
	_ =	sdelay $0x3  }
0x92: {  	_ =	strace s18  }
0x93: {  	s3 =	sld [smem:$0x3FFC];
	_ =	sdelay $0x3  }
0x94: {  	_ =	strace s3  }
0x95: {  	s3 =	sld [smem:$0x3FFD];
	_ =	sdelay $0x3  }
0x96: {  	_ =	strace s3  }
0x97: {  	_ =	strace $0x8FFFFFFF  }
0x98: {  	s19 =	sld [smem:$0x3FDB];
	_ =	sdelay $0x1  }
0x99: {  	s4 =	simm.s32 $_scs_section_size  }
0x9a: {  	s5 =	simm.s32 $_size__tile_overlayer_lowered;
	s6 =	simm.s32 $_tile_overlayer_lowered  }
0x9b: {  	s22 =	simm.s32 $0x1BFF;
	s21 =	sshll.u32 s6, $0x1;
	s3 =	sadd.s32 s4, s19  }
0x9c: {  	s7 =	simm.s32 $0x0;
	s20 =	sshll.u32 s5, $0x1;
	s5 =	sadd.s32 s21, s3  }
0x9d: {  	[timem:s7], [sflag:s22] =	dma.local [hbm:s5], s20  }
0x9e: {  	_ =	swait.ge [sflag:s22], s20  }
0x9f: {  	s4 =	ssub.s32 $0x0, s20;
	[sflag:s22] =	ssyncset.done $0x0  }
0xa0: {  	[sflag:s22] =	ssyncadd.s32 s4;
	_ =	sdelay $0x1  }
0xa1: {  	s23 =	simm.s32 $0x1B8B  }
0xa2: {  	_ =	swait.ge [sflag:s23], $0x1  }
0xa3: {  	[sflag:s23] =	ssyncset.done $0x0  }
0xa4: {  	s25 =	simm.s32 $0x1B8E;
	s24 =	sld [smem:$0x3FFE];
	[sflag:s23] =	ssyncadd.s32 $0xFFFFFFFF  }
0xa5: {  	s26 =	simm.s32 $execute0_lowered;
	[smem:$0x3FD2] =	sst s25  }
0xa6: {  	s5 =	sshll.u32 s26, $0x1;
	_ =	strace $0x80000046;
	[dreg:$0x1] =	wrdreg $0xFFFFFFFF  }
0xa7: {  	s28 =	simm.s32 $_size_execute0_lowered;
	s3 =	sadd.s32 s3, s5;
	[dreg:$0x0] =	wrdreg $0x0  }
0xa8: {  	s5 =	sshll.u32 s28, $0x1;
	[dreg:$0x2] =	wrdreg s3  }
0xa9: {  	[dreg:$0x3] =	wrdreg s5  }
0xaa: {  	[dreg:$0x4] =	wrdreg $0xC0  }
0xab: {  	_ =	task [dreg:s7], $0x5FFFF  }
0xac: {  	[dreg:$0x1] =	wrdreg $0xFFFFFFFF  }
0xad: {  	[dreg:$0x0] =	wrdreg $0x60  }
0xae: {  	[dreg:$0x2] =	wrdreg s24  }
0xaf: {  	[dreg:$0x3] =	wrdreg s2  }
0xb0: {  	[dreg:$0x4] =	wrdreg $0xB0000  }
0xb1: {  	[dreg:$0x5] =	wrdreg $0x9  }
0xb2: {  	_ =	task.clear_ibuf [dreg:s7], $0x6FFFF;
	_ =	strace $0x90000046  }
0xb3: {  	s29 =	simm.s32 $0x9;
	_ =	strace $0x80000048  }
0xb4: {  	_ =	swait.ge [sflag:s29], $0x1  }
0xb5: {  	[sflag:s29] =	ssyncadd.s32 $0xFFFFFFFF  }
0xb6: {  	_ =	strace $0x90000048  }
0xb7: {  	_ =	sfence  }
0xb8: {  	s30 =	sld [smem:$0x0];
	_ =	sdelay $0x2  }
0xb9: {  	s31 =	sshll.u32 s1, $0xD;
	s1 =	sshrl.u32 s1, $0x2  }
0xba: {  	s3 =	sand.u32 $0x4000, s31;
	s1 =	sadd.s32 s1, s30  }
0xbb: {  	s0 =	sor.u32 s3, s0;
	s1 =	sshll.u32 s1, $0x11  }
0xbc: {  	s0 =	sor.u32 s1, s0  }
0xbd: {  	s0 =	sadd.s32 $0x8F2B, s0  }
0xbe: {  	[sflag:s0] =	ssyncadd.remote.s32 $0x1  }
0xbf: {  	_ =	sfence.sel $0xFFFF  }
0xc0: {  	[dreg:$0x0] =	wrdreg $0xFFFFFFFF;
	(pc) =	sbr.abs _section_cstart, $3  }
0xc1: {  	[dreg:$0x1] =	wrdreg $0xFFFFFFFF  }
0xc2: {  	_ =	task.clear_ibuf [dreg:s7], $0x2FFFF;
	_ =	strace $0x9FFFFFFF  }
0xc3: {  	(tm) =	ssettm $0x7FFFFFFF  }
tec
execute0_lowered:
.L_overlay_start_1:
0x0: {  	(tag) =	ssettag $0x1  }
0x1: {  	s1 =	rddreg [dreg:$0x0];
	s2 =	srdreg.scid  }
0x2: {  	s0 =	rddreg [dreg:$0x1];
	s8 =	stileid.u32  }
0x3: {  	s3 =	rddreg [dreg:$0x2];
	s6 =	simm.s32 $0x0;
	s5 =	smul.u32 $0x2800, s8  }
0x4: {  	s29 =	simm.s32 $0x2C00;
	s2 =	sand.u32 $0x1, s2;
	s18 =	smul.u32 $0x4F000, s8  }
0x5: {  	s31 =	simm.s32 $0x2E00;
	s28 =	simm.s32 $0x4;
	s4 =	smul.u32 $0x28000, s2  }
0x6: {  	s30 =	simm.s32 $0x5;
	[smem:$0x7FF] =	sst s6;
	s26 =	smul.u32 $0x4E000, s8  }
0x7: {  	s16 =	smul.u32 $0x2700, s8;
	s4 =	sadd.s32 s5, s4;
	s5 =	sshrl.u32 s18, $0x2  }
0x8: {  	p0 =	sne.s32 s8, $0x0;
	s8 =	simm.s32 $0x2880;
	s9 =	sadd.s32 s5, s3  }
0x9: {  	_ =	strace $0x80000047;
	s20 =	sadd.s32 $0x1000, s9;
	[dreg:$0x4] =	wrdreg s9  }
0xa: {  	s19 =	ssub.s32 $0x2, s2;
	s21 =	sadd.s32 $0x2000, s9;
	[dreg:$0x6] =	wrdreg s20  }
0xb: {  	s13 =	smul.u32 $0x27100, s2;
	s22 =	sadd.s32 $0x3000, s9;
	[dreg:$0x7] =	wrdreg s21  }
0xc: {  	s2 =	smul.u32 $0x138800, s2;
	s23 =	sadd.s32 $0x4000, s9;
	[dreg:$0x8] =	wrdreg s22  }
0xd: {  	s7 =	sshrl.u32 s19, $0x1;
	s24 =	sadd.s32 $0x5000, s9;
	[dreg:$0x9] =	wrdreg s23  }
0xe: {  	s6 =	sadd.s32 s16, s13;
	s25 =	sadd.s32 $0x6000, s9;
	[dreg:$0xa] =	wrdreg s24  }
0xf: {  	s2 =	sshrl.u32 s2, $0x3;
	s11 =	sadd.s32 $0x7000, s9;
	[dreg:$0xb] =	wrdreg s25  }
0x10: {  	s13 =	simm.s32 $0x3000;
	s12 =	sadd.s32 $0x8000, s9;
	[dreg:$0xc] =	wrdreg s11  }
0x11: {  	s16 =	simm.s32 $0x8000;
	s14 =	sadd.s32 $0x9000, s9;
	[dreg:$0xd] =	wrdreg s12  }
0x12: {  	s4 =	sshrl.u32 s4, $0x3;
	s15 =	sadd.s32 $0xA000, s9;
	[dreg:$0xe] =	wrdreg s14  }
0x13: {  	s5 =	ssub.s32 s19, s7;
	s10 =	sadd.s32 $0xB000, s9;
	[dreg:$0xf] =	wrdreg s15  }
0x14: {  	s7 =	simm.s32 $0x7;
	s17 =	sadd.s32 $0xC000, s9;
	[dreg:$0x10] =	wrdreg s10  }
0x15: {  	s4 =	sadd.s32 s4, s1;
	s18 =	sadd.s32 $0xD000, s9;
	[dreg:$0x11] =	wrdreg s17  }
0x16: {  	s1 =	sadd.s32 $0xA400, s1;
	s19 =	sadd.s32 $0xE000, s9;
	[dreg:$0x12] =	wrdreg s18  }
0x17: {  	s4 =	sadd.s32 $0x400, s4;
	[dreg:$0x13] =	wrdreg s19;
	s6 =	sadd.s32 s1, s6  }
0x18: {  	s1 =	sadd.s32 s1, s2;
	s2 =	sadd.s32 $0x138000, s3;
	s20 =	smax.u32 s5, $0x1  }
0x19: {  	s22 =	sadd.s32 $0xF000, s9;
	s23 =	sadd.s32 $0x10000, s9;
	[dreg:$0x5] =	wrdreg s4  }
0x1a: {  	s24 =	sadd.s32 $0x11000, s9;
	s25 =	sadd.s32 $0x12000, s9;
	[dreg:$0x14] =	wrdreg s6  }
0x1b: {  	s19 =	simm.s32 $0x2800;
	s10 =	simm.s32 $0x4000;
	[dreg:$0x16] =	wrdreg s20  }
0x1c: {  	s12 =	simm.s32 $0x5000;
	s14 =	simm.s32 $0x7000;
	[dreg:$0x19] =	wrdreg s22  }
0x1d: {  	s18 =	simm.s32 $0x9000;
	s5 =	simm.s32 $0x6;
	[dreg:$0x1a] =	wrdreg s23  }
0x1e: {  	s11 =	simm.s32 $0x8;
	s15 =	simm.s32 $0x0;
	[dreg:$0x1b] =	wrdreg s24  }
0x1f: {  	s4 =	sshrl.u32 s26, $0x2;
	s1 =	sadd.s32 $0x27000, s1;
	[dreg:$0x1c] =	wrdreg s25  }
0x20: {  	s26 =	sadd.s32 $0x13000, s9;
	s22 =	simm.s32 $0x2900;
	s24 =	simm.s32 $0x2A00  }
0x21: {  	s6 =	simm.s32 $0x2D00;
	s9 =	simm.s32 $0x2F00;
	s20 =	simm.s32 $0xA000  }
0x22: {  	s23 =	simm.s32 $0x2;
	s25 =	simm.s32 $0x3;
	[dreg:$0x1e] =	wrdreg s15  }
0x23: {  	s4 =	sadd.s32 s4, s3;
	[dreg:$0x15] =	wrdreg s1;
	s1 =	sshrl.u32 @!p0 s2, $0x3  }
0x24: {  	[dreg:$0x1d] =	wrdreg s26;
	s2 =	simm.s32 $0x20;
	s26 =	simm.s32 $0x2B00  }
0x25: {  	s21 =	sshrl.u32 s4, $0x3;
	[dreg:$0x18] =	wrdreg s1;
	s1 =	simm.s32 $0x9  }
0x26: {  	v0 =	vimm.f32 $0.0e+00;
	s4 =	simm.s32 $0x6000;
	[dreg:$0x17] =	wrdreg s21;
	s21 =	simm.s32 $0x1  }
.LBB2_1:
0x27: {  	s15 =	simm.s32 $0x0;
	s17 =	rddreg [dreg:$0x5]  }
0x28: {  	[tilespmem:s15], [sflag:$0x9] =	stream.linear.gather [hbm4b:s17+s15], $0x2800, $0x38;
	[tilespmem:$0x1EC00] =	vst v63  }
0x29: {  	_ =	swait.ge [sflag:s1], $0x2800  }
0x2a: {  	[sflag:s1] =	ssyncset.done $0x0  }
0x2b: {  	s15 =	simm.s32 $0x0;
	s17 =	simm.s32 $0x200;
	[sflag:s1] =	ssyncadd.s32 $0xFFFFD800  }
.LBB2_2:
0x2c: {  	p1 =	sne.s32 s17, $0x3E00;
	[tilespmem:s15+$0x3070] =	vst v0  }
0x2d: {  	[tilespmem:s15+$0x3000] =	vst v0  }
0x2e: {  	[tilespmem:s15+$0x3010] =	vst v0  }
.Ltmp0:
0x2f: {  	[tilespmem:s15+$0x3020] =	vst v0;
	(pc) =	sbr.rel @p1 .LBB2_2-.Ltmp0, $4  }
0x30: {  	[tilespmem:s15+$0x3030] =	vst v0  }
0x31: {  	[tilespmem:s15+$0x3040] =	vst v0  }
0x32: {  	[tilespmem:s15+$0x3050] =	vst v0  }
0x33: {  	[tilespmem:s15+$0x3060] =	vst v0;
	s15 =	sshra.s32 s17, $0x2;
	s17 =	sadd.s32 $0x200, s17  }
0x34: {  	[tilespmem:s15+$0x3070] =	vst v0  }
0x35: {  	[tilespmem:s15+$0x3000] =	vst v0  }
0x36: {  	[tilespmem:s15+$0x3010] =	vst v0  }
0x37: {  	[tilespmem:s15+$0x3020] =	vst v0  }
0x38: {  	[tilespmem:s15+$0x3030] =	vst v0  }
0x39: {  	[tilespmem:s15+$0x3040] =	vst v0  }
0x3a: {  	[tilespmem:s15+$0x3050] =	vst v0  }
0x3b: {  	[tilespmem:s15+$0x3060] =	vst v0;
	s17 =	rddreg [dreg:$0x4]  }
0x3c: {  	[spmem:s17] =	stream.linear.scatter [tilespmem:s13], [sflag:$0x9], $0x1000, $0x38;
	[tilespmem:$0x1EC00] =	vst v63  }
0x3d: {  	_ =	swait.ge [sflag:s1], $0x1000  }
0x3e: {  	[sflag:s1] =	ssyncset.done $0x0  }
0x3f: {  	s17 =	rddreg [dreg:$0x6];
	[sflag:s1] =	ssyncadd.s32 $0xFFFFF000  }
0x40: {  	[spmem:s17] =	stream.linear.scatter [tilespmem:s13], [sflag:$0x9], $0x1000, $0x38;
	[tilespmem:$0x1EC00] =	vst v63  }
0x41: {  	_ =	swait.ge [sflag:s1], $0x1000  }
0x42: {  	[sflag:s1] =	ssyncset.done $0x0  }
0x43: {  	s17 =	rddreg [dreg:$0x7];
	[sflag:s1] =	ssyncadd.s32 $0xFFFFF000  }
0x44: {  	[spmem:s17] =	stream.linear.scatter [tilespmem:s13], [sflag:$0x9], $0x1000, $0x38;
	[tilespmem:$0x1EC00] =	vst v63  }
0x45: {  	_ =	swait.ge [sflag:s1], $0x1000  }
0x46: {  	[sflag:s1] =	ssyncset.done $0x0  }
0x47: {  	s17 =	rddreg [dreg:$0x8];
	[sflag:s1] =	ssyncadd.s32 $0xFFFFF000  }
0x48: {  	[spmem:s17] =	stream.linear.scatter [tilespmem:s13], [sflag:$0x9], $0x1000, $0x38;
	[tilespmem:$0x1EC00] =	vst v63  }
0x49: {  	_ =	swait.ge [sflag:s1], $0x1000  }
0x4a: {  	[sflag:s1] =	ssyncset.done $0x0  }
0x4b: {  	s17 =	rddreg [dreg:$0x9];
	[sflag:s1] =	ssyncadd.s32 $0xFFFFF000  }
0x4c: {  	[spmem:s17] =	stream.linear.scatter [tilespmem:s13], [sflag:$0x9], $0x1000, $0x38;
	[tilespmem:$0x1EC00] =	vst v63  }
0x4d: {  	_ =	swait.ge [sflag:s1], $0x1000  }
0x4e: {  	[sflag:s1] =	ssyncset.done $0x0  }
0x4f: {  	s17 =	rddreg [dreg:$0xa];
	[sflag:s1] =	ssyncadd.s32 $0xFFFFF000  }
0x50: {  	[spmem:s17] =	stream.linear.scatter [tilespmem:s13], [sflag:$0x9], $0x1000, $0x38;
	[tilespmem:$0x1EC00] =	vst v63  }
0x51: {  	_ =	swait.ge [sflag:s1], $0x1000  }
0x52: {  	[sflag:s1] =	ssyncset.done $0x0  }
0x53: {  	s17 =	rddreg [dreg:$0xb];
	[sflag:s1] =	ssyncadd.s32 $0xFFFFF000  }
0x54: {  	[spmem:s17] =	stream.linear.scatter [tilespmem:s13], [sflag:$0x9], $0x1000, $0x38;
	[tilespmem:$0x1EC00] =	vst v63  }
0x55: {  	_ =	swait.ge [sflag:s1], $0x1000  }
0x56: {  	[sflag:s1] =	ssyncset.done $0x0  }
0x57: {  	s17 =	rddreg [dreg:$0xc];
	[sflag:s1] =	ssyncadd.s32 $0xFFFFF000  }
0x58: {  	[spmem:s17] =	stream.linear.scatter [tilespmem:s13], [sflag:$0x9], $0x1000, $0x38;
	[tilespmem:$0x1EC00] =	vst v63  }
0x59: {  	_ =	swait.ge [sflag:s1], $0x1000  }
0x5a: {  	[sflag:s1] =	ssyncset.done $0x0  }
0x5b: {  	s17 =	rddreg [dreg:$0xd];
	[sflag:s1] =	ssyncadd.s32 $0xFFFFF000  }
0x5c: {  	[spmem:s17] =	stream.linear.scatter [tilespmem:s13], [sflag:$0x9], $0x1000, $0x38;
	[tilespmem:$0x1EC00] =	vst v63  }
0x5d: {  	_ =	swait.ge [sflag:s1], $0x1000  }
0x5e: {  	[sflag:s1] =	ssyncset.done $0x0  }
0x5f: {  	s17 =	rddreg [dreg:$0xe];
	[sflag:s1] =	ssyncadd.s32 $0xFFFFF000  }
0x60: {  	[spmem:s17] =	stream.linear.scatter [tilespmem:s13], [sflag:$0x9], $0x1000, $0x38;
	[tilespmem:$0x1EC00] =	vst v63  }
0x61: {  	_ =	swait.ge [sflag:s1], $0x1000  }
0x62: {  	[sflag:s1] =	ssyncset.done $0x0  }
0x63: {  	s17 =	rddreg [dreg:$0xf];
	[sflag:s1] =	ssyncadd.s32 $0xFFFFF000  }
0x64: {  	[spmem:s17] =	stream.linear.scatter [tilespmem:s13], [sflag:$0x9], $0x1000, $0x38;
	[tilespmem:$0x1EC00] =	vst v63  }
0x65: {  	_ =	swait.ge [sflag:s1], $0x1000  }
0x66: {  	[sflag:s1] =	ssyncset.done $0x0  }
0x67: {  	s17 =	rddreg [dreg:$0x10];
	[sflag:s1] =	ssyncadd.s32 $0xFFFFF000  }
0x68: {  	[spmem:s17] =	stream.linear.scatter [tilespmem:s13], [sflag:$0x9], $0x1000, $0x38;
	[tilespmem:$0x1EC00] =	vst v63  }
0x69: {  	_ =	swait.ge [sflag:s1], $0x1000  }
0x6a: {  	[sflag:s1] =	ssyncset.done $0x0  }
0x6b: {  	s17 =	rddreg [dreg:$0x11];
	[sflag:s1] =	ssyncadd.s32 $0xFFFFF000  }
0x6c: {  	[spmem:s17] =	stream.linear.scatter [tilespmem:s13], [sflag:$0x9], $0x1000, $0x38;
	[tilespmem:$0x1EC00] =	vst v63  }
0x6d: {  	_ =	swait.ge [sflag:s1], $0x1000  }
0x6e: {  	[sflag:s1] =	ssyncset.done $0x0  }
0x6f: {  	s17 =	rddreg [dreg:$0x12];
	[sflag:s1] =	ssyncadd.s32 $0xFFFFF000  }
0x70: {  	[spmem:s17] =	stream.linear.scatter [tilespmem:s13], [sflag:$0x9], $0x1000, $0x38;
	[tilespmem:$0x1EC00] =	vst v63  }
0x71: {  	_ =	swait.ge [sflag:s1], $0x1000  }
0x72: {  	[sflag:s1] =	ssyncset.done $0x0  }
0x73: {  	s17 =	rddreg [dreg:$0x13];
	[sflag:s1] =	ssyncadd.s32 $0xFFFFF000  }
0x74: {  	[spmem:s17] =	stream.linear.scatter [tilespmem:s13], [sflag:$0x9], $0x1000, $0x38;
	[tilespmem:$0x1EC00] =	vst v63  }
0x75: {  	_ =	swait.ge [sflag:s1], $0x1000  }
0x76: {  	[sflag:s1] =	ssyncset.done $0x0  }
0x77: {  	s17 =	rddreg [dreg:$0x19];
	[sflag:s1] =	ssyncadd.s32 $0xFFFFF000  }
0x78: {  	[spmem:s17] =	stream.linear.scatter [tilespmem:s13], [sflag:$0x9], $0x1000, $0x38;
	[tilespmem:$0x1EC00] =	vst v63  }
0x79: {  	_ =	swait.ge [sflag:s1], $0x1000  }
0x7a: {  	[sflag:s1] =	ssyncset.done $0x0  }
0x7b: {  	s17 =	rddreg [dreg:$0x1a];
	[sflag:s1] =	ssyncadd.s32 $0xFFFFF000  }
0x7c: {  	[spmem:s17] =	stream.linear.scatter [tilespmem:s13], [sflag:$0x9], $0x1000, $0x38;
	[tilespmem:$0x1EC00] =	vst v63  }
0x7d: {  	_ =	swait.ge [sflag:s1], $0x1000  }
0x7e: {  	[sflag:s1] =	ssyncset.done $0x0  }
0x7f: {  	s17 =	rddreg [dreg:$0x1b];
	[sflag:s1] =	ssyncadd.s32 $0xFFFFF000  }
0x80: {  	[spmem:s17] =	stream.linear.scatter [tilespmem:s13], [sflag:$0x9], $0x1000, $0x38;
	[tilespmem:$0x1EC00] =	vst v63  }
0x81: {  	_ =	swait.ge [sflag:s1], $0x1000  }
0x82: {  	[sflag:s1] =	ssyncset.done $0x0  }
0x83: {  	s17 =	rddreg [dreg:$0x1c];
	[sflag:s1] =	ssyncadd.s32 $0xFFFFF000  }
0x84: {  	[spmem:s17] =	stream.linear.scatter [tilespmem:s13], [sflag:$0x9], $0x1000, $0x38;
	[tilespmem:$0x1EC00] =	vst v63  }
0x85: {  	_ =	swait.ge [sflag:s1], $0x1000  }
0x86: {  	[sflag:s1] =	ssyncset.done $0x0  }
0x87: {  	s17 =	rddreg [dreg:$0x1d];
	[sflag:s1] =	ssyncadd.s32 $0xFFFFF000  }
0x88: {  	[spmem:s17] =	stream.linear.scatter [tilespmem:s13], [sflag:$0x9], $0xC00, $0x38;
	[tilespmem:$0x1EC00] =	vst v63  }
0x89: {  	_ =	swait.ge [sflag:s1], $0xC00  }
0x8a: {  	[sflag:s1] =	ssyncset.done $0x0  }
0x8b: {  	[sflag:s1] =	ssyncadd.s32 $0xFFFFF400  }
0x8c: {  	v1 =	vld [tilespmem:$0x0];
	_ =	sdelay $0x1  }
0x8d: {  	v2 =	vld [tilespmem:$0x10];
	_ =	sdelay $0x2  }
0x8e: {  	v3 =	vand.u32 $0xFFFF, v1  }
0x8f: {  	v1 =	vshrl.u32 v1, $0x10;
	[tilespmem:$0x2800] =	vst v3  }
0x90: {  	[tilespmem:$0x2880] =	vst v1;
	v1 =	vand.u32 $0xFFFF, v2  }
0x91: {  	[tilespmem:$0x2810] =	vst v1;
	v1 =	vshrl.u32 v2, $0x10  }
0x92: {  	[tilespmem:$0x2890] =	vst v1  }
0x93: {  	[tilespmem:s13], [sflag:$0x1] =	stream.indirect.gather [hbm4b:s0+s2], $0x80, s19, s2, $0xb8;
	[tilespmem:$0x1EC00] =	vst v63  }
0x94: {  	v1 =	vld [tilespmem:$0x20];
	_ =	sdelay $0x1  }
0x95: {  	v2 =	vld [tilespmem:$0x30];
	_ =	sdelay $0x2  }
0x96: {  	v3 =	vand.u32 $0xFFFF, v1  }
0x97: {  	v1 =	vshrl.u32 v1, $0x10;
	[tilespmem:$0x2900] =	vst v3  }
0x98: {  	[tilespmem:$0x2980] =	vst v1;
	v1 =	vand.u32 $0xFFFF, v2  }
0x99: {  	[tilespmem:$0x2910] =	vst v1;
	v1 =	vshrl.u32 v2, $0x10  }
0x9a: {  	[tilespmem:$0x2990] =	vst v1  }
0x9b: {  	[tilespmem:s10], [sflag:$0x2] =	stream.indirect.gather [hbm4b:s0+s2], $0x80, s22, s2, $0xb8;
	[tilespmem:$0x1EC00] =	vst v63  }
0x9c: {  	v1 =	vld [tilespmem:$0x40];
	_ =	sdelay $0x1  }
0x9d: {  	v2 =	vld [tilespmem:$0x50];
	_ =	sdelay $0x2  }
0x9e: {  	v3 =	vand.u32 $0xFFFF, v1  }
0x9f: {  	v1 =	vshrl.u32 v1, $0x10;
	[tilespmem:$0x2A00] =	vst v3  }
0xa0: {  	[tilespmem:$0x2A80] =	vst v1;
	v1 =	vand.u32 $0xFFFF, v2  }
0xa1: {  	[tilespmem:$0x2A10] =	vst v1;
	v1 =	vshrl.u32 v2, $0x10  }
0xa2: {  	[tilespmem:$0x2A90] =	vst v1  }
0xa3: {  	[tilespmem:s12], [sflag:$0x3] =	stream.indirect.gather [hbm4b:s0+s2], $0x80, s24, s2, $0xb8;
	[tilespmem:$0x1EC00] =	vst v63  }
0xa4: {  	v1 =	vld [tilespmem:$0x60];
	_ =	sdelay $0x1  }
0xa5: {  	v2 =	vld [tilespmem:$0x70];
	_ =	sdelay $0x2  }
0xa6: {  	v3 =	vand.u32 $0xFFFF, v1  }
0xa7: {  	v1 =	vshrl.u32 v1, $0x10;
	[tilespmem:$0x2B00] =	vst v3  }
0xa8: {  	[tilespmem:$0x2B80] =	vst v1;
	v1 =	vand.u32 $0xFFFF, v2  }
0xa9: {  	[tilespmem:$0x2B10] =	vst v1;
	v1 =	vshrl.u32 v2, $0x10  }
0xaa: {  	[tilespmem:$0x2B90] =	vst v1  }
0xab: {  	[tilespmem:s4], [sflag:$0x4] =	stream.indirect.gather [hbm4b:s0+s2], $0x80, s26, s2, $0xb8;
	[tilespmem:$0x1EC00] =	vst v63  }
0xac: {  	v1 =	vld [tilespmem:$0x80];
	_ =	sdelay $0x1  }
0xad: {  	v2 =	vld [tilespmem:$0x90];
	_ =	sdelay $0x2  }
0xae: {  	v3 =	vand.u32 $0xFFFF, v1  }
0xaf: {  	v1 =	vshrl.u32 v1, $0x10;
	[tilespmem:$0x2C00] =	vst v3  }
0xb0: {  	[tilespmem:$0x2C80] =	vst v1;
	v1 =	vand.u32 $0xFFFF, v2  }
0xb1: {  	[tilespmem:$0x2C10] =	vst v1;
	v1 =	vshrl.u32 v2, $0x10  }
0xb2: {  	[tilespmem:$0x2C90] =	vst v1  }
0xb3: {  	[tilespmem:s14], [sflag:$0x5] =	stream.indirect.gather [hbm4b:s0+s2], $0x80, s29, s2, $0xb8;
	[tilespmem:$0x1EC00] =	vst v63  }
0xb4: {  	v1 =	vld [tilespmem:$0xA0];
	_ =	sdelay $0x1  }
0xb5: {  	v2 =	vld [tilespmem:$0xB0];
	_ =	sdelay $0x2  }
0xb6: {  	v3 =	vand.u32 $0xFFFF, v1  }
0xb7: {  	v1 =	vshrl.u32 v1, $0x10;
	[tilespmem:$0x2D00] =	vst v3  }
0xb8: {  	[tilespmem:$0x2D80] =	vst v1;
	v1 =	vand.u32 $0xFFFF, v2  }
0xb9: {  	[tilespmem:$0x2D10] =	vst v1;
	v1 =	vshrl.u32 v2, $0x10  }
0xba: {  	[tilespmem:$0x2D90] =	vst v1  }
0xbb: {  	[tilespmem:s16], [sflag:$0x6] =	stream.indirect.gather [hbm4b:s0+s2], $0x80, s6, s2, $0xb8;
	[tilespmem:$0x1EC00] =	vst v63  }
0xbc: {  	v1 =	vld [tilespmem:$0xC0];
	_ =	sdelay $0x1  }
0xbd: {  	v2 =	vld [tilespmem:$0xD0];
	_ =	sdelay $0x2  }
0xbe: {  	v3 =	vand.u32 $0xFFFF, v1  }
0xbf: {  	v1 =	vshrl.u32 v1, $0x10;
	[tilespmem:$0x2E00] =	vst v3  }
0xc0: {  	[tilespmem:$0x2E80] =	vst v1;
	v1 =	vand.u32 $0xFFFF, v2  }
0xc1: {  	[tilespmem:$0x2E10] =	vst v1;
	v1 =	vshrl.u32 v2, $0x10  }
0xc2: {  	[tilespmem:$0x2E90] =	vst v1  }
0xc3: {  	[tilespmem:s18], [sflag:$0x7] =	stream.indirect.gather [hbm4b:s0+s2], $0x80, s31, s2, $0xb8;
	[tilespmem:$0x1EC00] =	vst v63  }
0xc4: {  	v1 =	vld [tilespmem:$0xE0];
	_ =	sdelay $0x1  }
0xc5: {  	v2 =	vld [tilespmem:$0xF0];
	_ =	sdelay $0x2  }
0xc6: {  	v3 =	vand.u32 $0xFFFF, v1  }
0xc7: {  	v1 =	vshrl.u32 v1, $0x10;
	[tilespmem:$0x2F00] =	vst v3  }
0xc8: {  	[tilespmem:$0x2F80] =	vst v1;
	v1 =	vand.u32 $0xFFFF, v2  }
0xc9: {  	[tilespmem:$0x2F10] =	vst v1;
	v1 =	vshrl.u32 v2, $0x10  }
0xca: {  	[tilespmem:$0x2F90] =	vst v1  }
0xcb: {  	[tilespmem:s20], [sflag:$0x8] =	stream.indirect.gather [hbm4b:s0+s2], $0x80, s9, s2, $0xb8;
	[tilespmem:$0x1EC00] =	vst v63  }
0xcc: {  	[bflag:$0x0] =	sbarrier.arrive $0xFFFF  }
0xcd: {  	_ =	swait.ge [sflag:s21], $0x1000  }
0xce: {  	[sflag:s21] =	ssyncset.done $0x0  }
0xcf: {  	[sflag:s21] =	ssyncadd.s32 $0xFFFFF000  }
0xd0: {  	[spmem:s3] =	stream.indirect.scatter.add.f32 [tilespmem:s13], [sflag:$0x9], $0x80, s8, s2, $0xb8;
	[tilespmem:$0x1EC00] =	vst v63  }
0xd1: {  	_ =	swait.ge [sflag:s1], $0x1000  }
0xd2: {  	[sflag:s1] =	ssyncset.done $0x0  }
0xd3: {  	s15 =	simm.s32 $0x1F0;
	[sflag:s1] =	ssyncadd.s32 $0xFFFFF000  }
0xd4: {  	v1 =	vld [tilespmem:s15+$0xFFFFFF10];
	_ =	sdelay $0x4  }
0xd5: {  	v2 =	vand.u32 $0xFFFF, v1  }
0xd6: {  	v1 =	vshrl.u32 v1, $0x10;
	[tilespmem:$0x2800] =	vst v2  }
0xd7: {  	[tilespmem:$0x2880] =	vst v1  }
0xd8: {  	v1 =	vld [tilespmem:s15+$0xFFFFFF20];
	_ =	sdelay $0x4  }
0xd9: {  	v2 =	vand.u32 $0xFFFF, v1  }
0xda: {  	v1 =	vshrl.u32 v1, $0x10;
	[tilespmem:$0x2810] =	vst v2  }
0xdb: {  	[tilespmem:$0x2890] =	vst v1  }
0xdc: {  	[tilespmem:s13], [sflag:$0x1] =	stream.indirect.gather [hbm4b:s0+s2], $0x80, s19, s2, $0xb8;
	[tilespmem:$0x1EC00] =	vst v63  }
0xdd: {  	_ =	swait.ge [sflag:s23], $0x1000  }
0xde: {  	[sflag:s23] =	ssyncset.done $0x0  }
0xdf: {  	s9 =	simm.s32 $0x2980;
	[sflag:s23] =	ssyncadd.s32 $0xFFFFF000  }
0xe0: {  	[spmem:s3] =	stream.indirect.scatter.add.f32 [tilespmem:s10], [sflag:$0x9], $0x80, s9, s2, $0xb8;
	[tilespmem:$0x1EC00] =	vst v63  }
0xe1: {  	_ =	swait.ge [sflag:s1], $0x1000  }
0xe2: {  	[sflag:s1] =	ssyncset.done $0x0  }
0xe3: {  	[sflag:s1] =	ssyncadd.s32 $0xFFFFF000  }
0xe4: {  	v1 =	vld [tilespmem:s15+$0xFFFFFF30];
	_ =	sdelay $0x4  }
0xe5: {  	v2 =	vand.u32 $0xFFFF, v1  }
0xe6: {  	v1 =	vshrl.u32 v1, $0x10;
	[tilespmem:$0x2900] =	vst v2  }
0xe7: {  	[tilespmem:$0x2980] =	vst v1  }
0xe8: {  	v1 =	vld [tilespmem:s15+$0xFFFFFF40];
	_ =	sdelay $0x4  }
0xe9: {  	v2 =	vand.u32 $0xFFFF, v1  }
0xea: {  	v1 =	vshrl.u32 v1, $0x10;
	[tilespmem:$0x2910] =	vst v2  }
0xeb: {  	[tilespmem:$0x2990] =	vst v1  }
0xec: {  	[tilespmem:s10], [sflag:$0x2] =	stream.indirect.gather [hbm4b:s0+s2], $0x80, s22, s2, $0xb8;
	[tilespmem:$0x1EC00] =	vst v63  }
0xed: {  	_ =	swait.ge [sflag:s25], $0x1000  }
0xee: {  	[sflag:s25] =	ssyncset.done $0x0  }
0xef: {  	s13 =	simm.s32 $0x2A80;
	[sflag:s25] =	ssyncadd.s32 $0xFFFFF000  }
0xf0: {  	[spmem:s3] =	stream.indirect.scatter.add.f32 [tilespmem:s12], [sflag:$0x9], $0x80, s13, s2, $0xb8;
	[tilespmem:$0x1EC00] =	vst v63  }
0xf1: {  	_ =	swait.ge [sflag:s1], $0x1000  }
0xf2: {  	[sflag:s1] =	ssyncset.done $0x0  }
0xf3: {  	[sflag:s1] =	ssyncadd.s32 $0xFFFFF000  }
0xf4: {  	v1 =	vld [tilespmem:s15+$0xFFFFFF50];
	_ =	sdelay $0x4  }
0xf5: {  	v2 =	vand.u32 $0xFFFF, v1  }
0xf6: {  	v1 =	vshrl.u32 v1, $0x10;
	[tilespmem:$0x2A00] =	vst v2  }
0xf7: {  	[tilespmem:$0x2A80] =	vst v1  }
0xf8: {  	v1 =	vld [tilespmem:s15+$0xFFFFFF60];
	_ =	sdelay $0x4  }
0xf9: {  	v2 =	vand.u32 $0xFFFF, v1  }
0xfa: {  	v1 =	vshrl.u32 v1, $0x10;
	[tilespmem:$0x2A10] =	vst v2  }
0xfb: {  	[tilespmem:$0x2A90] =	vst v1  }
0xfc: {  	[tilespmem:s12], [sflag:$0x3] =	stream.indirect.gather [hbm4b:s0+s2], $0x80, s24, s2, $0xb8;
	[tilespmem:$0x1EC00] =	vst v63  }
0xfd: {  	_ =	swait.ge [sflag:s28], $0x1000  }
0xfe: {  	[sflag:s28] =	ssyncset.done $0x0  }
0xff: {  	s17 =	simm.s32 $0x2B80;
	[sflag:s28] =	ssyncadd.s32 $0xFFFFF000  }
0x100: {  	[spmem:s3] =	stream.indirect.scatter.add.f32 [tilespmem:s4], [sflag:$0x9], $0x80, s17, s2, $0xb8;
	[tilespmem:$0x1EC00] =	vst v63  }
0x101: {  	_ =	swait.ge [sflag:s1], $0x1000  }
0x102: {  	[sflag:s1] =	ssyncset.done $0x0  }
0x103: {  	[sflag:s1] =	ssyncadd.s32 $0xFFFFF000  }
0x104: {  	v1 =	vld [tilespmem:s15+$0xFFFFFF70];
	_ =	sdelay $0x4  }
0x105: {  	v2 =	vand.u32 $0xFFFF, v1  }
0x106: {  	v1 =	vshrl.u32 v1, $0x10;
	[tilespmem:$0x2B00] =	vst v2  }
0x107: {  	[tilespmem:$0x2B80] =	vst v1  }
0x108: {  	v1 =	vld [tilespmem:s15+$0xFFFFFF80];
	_ =	sdelay $0x4  }
0x109: {  	v2 =	vand.u32 $0xFFFF, v1  }
0x10a: {  	v1 =	vshrl.u32 v1, $0x10;
	[tilespmem:$0x2B10] =	vst v2  }
0x10b: {  	[tilespmem:$0x2B90] =	vst v1  }
0x10c: {  	[tilespmem:s4], [sflag:$0x4] =	stream.indirect.gather [hbm4b:s0+s2], $0x80, s26, s2, $0xb8;
	[tilespmem:$0x1EC00] =	vst v63  }
0x10d: {  	_ =	swait.ge [sflag:s30], $0x1000  }
0x10e: {  	[sflag:s30] =	ssyncset.done $0x0  }
0x10f: {  	s19 =	simm.s32 $0x2C80;
	[sflag:s30] =	ssyncadd.s32 $0xFFFFF000  }
0x110: {  	[spmem:s3] =	stream.indirect.scatter.add.f32 [tilespmem:s14], [sflag:$0x9], $0x80, s19, s2, $0xb8;
	[tilespmem:$0x1EC00] =	vst v63  }
0x111: {  	_ =	swait.ge [sflag:s1], $0x1000  }
0x112: {  	[sflag:s1] =	ssyncset.done $0x0  }
0x113: {  	[sflag:s1] =	ssyncadd.s32 $0xFFFFF000  }
0x114: {  	v1 =	vld [tilespmem:s15+$0xFFFFFF90];
	_ =	sdelay $0x4  }
0x115: {  	v2 =	vand.u32 $0xFFFF, v1  }
0x116: {  	v1 =	vshrl.u32 v1, $0x10;
	[tilespmem:$0x2C00] =	vst v2  }
0x117: {  	[tilespmem:$0x2C80] =	vst v1  }
0x118: {  	v1 =	vld [tilespmem:s15+$0xFFFFFFA0];
	_ =	sdelay $0x4  }
0x119: {  	v2 =	vand.u32 $0xFFFF, v1  }
0x11a: {  	v1 =	vshrl.u32 v1, $0x10;
	[tilespmem:$0x2C10] =	vst v2  }
0x11b: {  	[tilespmem:$0x2C90] =	vst v1  }
0x11c: {  	[tilespmem:s14], [sflag:$0x5] =	stream.indirect.gather [hbm4b:s0+s2], $0x80, s29, s2, $0xb8;
	[tilespmem:$0x1EC00] =	vst v63  }
0x11d: {  	_ =	swait.ge [sflag:s5], $0x1000  }
0x11e: {  	[sflag:s5] =	ssyncset.done $0x0  }
0x11f: {  	s22 =	simm.s32 $0x2D80;
	[sflag:s5] =	ssyncadd.s32 $0xFFFFF000  }
0x120: {  	[spmem:s3] =	stream.indirect.scatter.add.f32 [tilespmem:s16], [sflag:$0x9], $0x80, s22, s2, $0xb8;
	[tilespmem:$0x1EC00] =	vst v63  }
0x121: {  	_ =	swait.ge [sflag:s1], $0x1000  }
0x122: {  	[sflag:s1] =	ssyncset.done $0x0  }
0x123: {  	[sflag:s1] =	ssyncadd.s32 $0xFFFFF000  }
0x124: {  	v1 =	vld [tilespmem:s15+$0xFFFFFFB0];
	_ =	sdelay $0x4  }
0x125: {  	v2 =	vand.u32 $0xFFFF, v1  }
0x126: {  	v1 =	vshrl.u32 v1, $0x10;
	[tilespmem:$0x2D00] =	vst v2  }
0x127: {  	[tilespmem:$0x2D80] =	vst v1  }
0x128: {  	v1 =	vld [tilespmem:s15+$0xFFFFFFC0];
	_ =	sdelay $0x4  }
0x129: {  	v2 =	vand.u32 $0xFFFF, v1  }
0x12a: {  	v1 =	vshrl.u32 v1, $0x10;
	[tilespmem:$0x2D10] =	vst v2  }
0x12b: {  	[tilespmem:$0x2D90] =	vst v1  }
0x12c: {  	[tilespmem:s16], [sflag:$0x6] =	stream.indirect.gather [hbm4b:s0+s2], $0x80, s6, s2, $0xb8;
	[tilespmem:$0x1EC00] =	vst v63  }
0x12d: {  	_ =	swait.ge [sflag:s7], $0x1000  }
0x12e: {  	[sflag:s7] =	ssyncset.done $0x0  }
0x12f: {  	s24 =	simm.s32 $0x2E80;
	[sflag:s7] =	ssyncadd.s32 $0xFFFFF000  }
0x130: {  	[spmem:s3] =	stream.indirect.scatter.add.f32 [tilespmem:s18], [sflag:$0x9], $0x80, s24, s2, $0xb8;
	[tilespmem:$0x1EC00] =	vst v63  }
0x131: {  	_ =	swait.ge [sflag:s1], $0x1000  }
0x132: {  	[sflag:s1] =	ssyncset.done $0x0  }
0x133: {  	[sflag:s1] =	ssyncadd.s32 $0xFFFFF000  }
0x134: {  	v1 =	vld [tilespmem:s15+$0xFFFFFFD0];
	_ =	sdelay $0x4  }
0x135: {  	v2 =	vand.u32 $0xFFFF, v1  }
0x136: {  	v1 =	vshrl.u32 v1, $0x10;
	[tilespmem:$0x2E00] =	vst v2  }
0x137: {  	[tilespmem:$0x2E80] =	vst v1  }
0x138: {  	v1 =	vld [tilespmem:s15+$0xFFFFFFE0];
	_ =	sdelay $0x4  }
0x139: {  	v2 =	vand.u32 $0xFFFF, v1  }
0x13a: {  	s8 =	simm.s32 $0xA000;
	s9 =	simm.s32 $0x2E00;
	v1 =	vshrl.u32 v1, $0x10;
	[tilespmem:$0x2E10] =	vst v2  }
0x13b: {  	s10 =	simm.s32 $0x4000;
	s12 =	simm.s32 $0x5000;
	s17 =	simm.s32 $0xBC0;
	[tilespmem:$0x2E90] =	vst v1  }
0x13c: {  	[tilespmem:s18], [sflag:$0x7] =	stream.indirect.gather [hbm4b:s0+s2], $0x80, s31, s2, $0xb8;
	[tilespmem:$0x1EC00] =	vst v63  }
0x13d: {  	s26 =	simm.s32 $0x2F80;
	s4 =	simm.s32 $0x6000;
	_ =	swait.ge [sflag:s11], $0x1000  }
0x13e: {  	s14 =	simm.s32 $0x3000;
	s29 =	simm.s32 $0x2B00;
	[sflag:s11] =	ssyncset.done $0x0  }
0x13f: {  	s22 =	simm.s32 $0x2800;
	s6 =	simm.s32 $0x2D00;
	[sflag:s11] =	ssyncadd.s32 $0xFFFFF000  }
0x140: {  	[spmem:s3] =	stream.indirect.scatter.add.f32 [tilespmem:s20], [sflag:$0x9], $0x80, s26, s2, $0xb8;
	[tilespmem:$0x1EC00] =	vst v63  }
0x141: {  	s16 =	simm.s32 $0x7000;
	s24 =	simm.s32 $0x2900;
	_ =	swait.ge [sflag:s1], $0x1000  }
0x142: {  	s18 =	simm.s32 $0x8000;
	s31 =	simm.s32 $0x2C00;
	[sflag:s1] =	ssyncset.done $0x0  }
0x143: {  	s20 =	simm.s32 $0x9000;
	s26 =	simm.s32 $0x2A00;
	[sflag:s1] =	ssyncadd.s32 $0xFFFFF000  }
.LBB2_4:
0x144: {  	p1 =	sne.s32 s17, $0x9FC0;
	v1 =	vld [tilespmem:s15+$0xFFFFFFF0];
	s19 =	smov.u32 s17;
	s17 =	sadd.s32 $0x400, s17  }
0x145: {  	_ =	sdelay $0x3  }
0x146: {  	v2 =	vand.u32 $0xFFFF, v1;
	v1 =	vshrl.u32 v1, $0x10  }
0x147: {  	[tilespmem:$0x2F00] =	vst v2  }
0x148: {  	[tilespmem:$0x2F80] =	vst v1  }
0x149: {  	v1 =	vld [tilespmem:s15+$0x0];
	_ =	sdelay $0x4  }
0x14a: {  	v2 =	vand.u32 $0xFFFF, v1;
	v1 =	vshrl.u32 v1, $0x10  }
0x14b: {  	[tilespmem:$0x2F10] =	vst v2  }
0x14c: {  	s13 =	simm.s32 $0x2F00;
	[tilespmem:$0x2F90] =	vst v1  }
0x14d: {  	[tilespmem:s8], [sflag:$0x8] =	stream.indirect.gather [hbm4b:s0+s2], $0x80, s13, s2, $0xb8;
	[tilespmem:$0x1EC00] =	vst v63  }
0x14e: {  	_ =	swait.ge [sflag:s21], $0x1000  }
0x14f: {  	[sflag:s21] =	ssyncset.done $0x0  }
0x150: {  	s13 =	simm.s32 $0x2880;
	[sflag:s21] =	ssyncadd.s32 $0xFFFFF000  }
0x151: {  	[spmem:s3] =	stream.indirect.scatter.add.f32 [tilespmem:s14], [sflag:$0x9], $0x80, s13, s2, $0xb8;
	[tilespmem:$0x1EC00] =	vst v63  }
0x152: {  	_ =	swait.ge [sflag:s1], $0x1000  }
0x153: {  	[sflag:s1] =	ssyncset.done $0x0  }
0x154: {  	s15 =	sshra.s32 s19, $0x2;
	s19 =	simm.s32 $0x2980;
	[sflag:s1] =	ssyncadd.s32 $0xFFFFF000  }
0x155: {  	v1 =	vld [tilespmem:s15+$0xFFFFFF10];
	_ =	sdelay $0x4  }
0x156: {  	v2 =	vand.u32 $0xFFFF, v1;
	v1 =	vshrl.u32 v1, $0x10  }
0x157: {  	[tilespmem:$0x2800] =	vst v2  }
0x158: {  	[tilespmem:$0x2880] =	vst v1  }
0x159: {  	v1 =	vld [tilespmem:s15+$0xFFFFFF20];
	_ =	sdelay $0x4  }
0x15a: {  	v2 =	vand.u32 $0xFFFF, v1;
	v1 =	vshrl.u32 v1, $0x10  }
0x15b: {  	[tilespmem:$0x2810] =	vst v2  }
0x15c: {  	[tilespmem:$0x2890] =	vst v1  }
0x15d: {  	[tilespmem:s14], [sflag:$0x1] =	stream.indirect.gather [hbm4b:s0+s2], $0x80, s22, s2, $0xb8;
	[tilespmem:$0x1EC00] =	vst v63  }
0x15e: {  	_ =	swait.ge [sflag:s23], $0x1000  }
0x15f: {  	[sflag:s23] =	ssyncset.done $0x0  }
0x160: {  	[sflag:s23] =	ssyncadd.s32 $0xFFFFF000  }
0x161: {  	[spmem:s3] =	stream.indirect.scatter.add.f32 [tilespmem:s10], [sflag:$0x9], $0x80, s19, s2, $0xb8;
	[tilespmem:$0x1EC00] =	vst v63  }
0x162: {  	_ =	swait.ge [sflag:s1], $0x1000  }
0x163: {  	[sflag:s1] =	ssyncset.done $0x0  }
0x164: {  	[sflag:s1] =	ssyncadd.s32 $0xFFFFF000  }
0x165: {  	v1 =	vld [tilespmem:s15+$0xFFFFFF30];
	_ =	sdelay $0x4  }
0x166: {  	v2 =	vand.u32 $0xFFFF, v1;
	v1 =	vshrl.u32 v1, $0x10  }
0x167: {  	[tilespmem:$0x2900] =	vst v2  }
0x168: {  	[tilespmem:$0x2980] =	vst v1  }
0x169: {  	v1 =	vld [tilespmem:s15+$0xFFFFFF40];
	_ =	sdelay $0x4  }
0x16a: {  	v2 =	vand.u32 $0xFFFF, v1;
	v1 =	vshrl.u32 v1, $0x10  }
0x16b: {  	[tilespmem:$0x2910] =	vst v2  }
0x16c: {  	[tilespmem:$0x2990] =	vst v1  }
0x16d: {  	[tilespmem:s10], [sflag:$0x2] =	stream.indirect.gather [hbm4b:s0+s2], $0x80, s24, s2, $0xb8;
	[tilespmem:$0x1EC00] =	vst v63  }
0x16e: {  	_ =	swait.ge [sflag:s25], $0x1000  }
0x16f: {  	[sflag:s25] =	ssyncset.done $0x0  }
0x170: {  	s13 =	simm.s32 $0x2A80;
	[sflag:s25] =	ssyncadd.s32 $0xFFFFF000  }
0x171: {  	[spmem:s3] =	stream.indirect.scatter.add.f32 [tilespmem:s12], [sflag:$0x9], $0x80, s13, s2, $0xb8;
	[tilespmem:$0x1EC00] =	vst v63  }
0x172: {  	_ =	swait.ge [sflag:s1], $0x1000  }
0x173: {  	[sflag:s1] =	ssyncset.done $0x0  }
0x174: {  	[sflag:s1] =	ssyncadd.s32 $0xFFFFF000  }
0x175: {  	v1 =	vld [tilespmem:s15+$0xFFFFFF50];
	_ =	sdelay $0x4  }
0x176: {  	v2 =	vand.u32 $0xFFFF, v1;
	v1 =	vshrl.u32 v1, $0x10  }
0x177: {  	[tilespmem:$0x2A00] =	vst v2  }
0x178: {  	[tilespmem:$0x2A80] =	vst v1  }
0x179: {  	v1 =	vld [tilespmem:s15+$0xFFFFFF60];
	_ =	sdelay $0x4  }
0x17a: {  	v2 =	vand.u32 $0xFFFF, v1;
	v1 =	vshrl.u32 v1, $0x10  }
0x17b: {  	[tilespmem:$0x2A10] =	vst v2  }
0x17c: {  	[tilespmem:$0x2A90] =	vst v1  }
0x17d: {  	[tilespmem:s12], [sflag:$0x3] =	stream.indirect.gather [hbm4b:s0+s2], $0x80, s26, s2, $0xb8;
	[tilespmem:$0x1EC00] =	vst v63  }
0x17e: {  	_ =	swait.ge [sflag:s28], $0x1000  }
0x17f: {  	[sflag:s28] =	ssyncset.done $0x0  }
0x180: {  	s13 =	simm.s32 $0x2B80;
	[sflag:s28] =	ssyncadd.s32 $0xFFFFF000  }
0x181: {  	[spmem:s3] =	stream.indirect.scatter.add.f32 [tilespmem:s4], [sflag:$0x9], $0x80, s13, s2, $0xb8;
	[tilespmem:$0x1EC00] =	vst v63  }
0x182: {  	_ =	swait.ge [sflag:s1], $0x1000  }
0x183: {  	[sflag:s1] =	ssyncset.done $0x0  }
0x184: {  	[sflag:s1] =	ssyncadd.s32 $0xFFFFF000  }
0x185: {  	v1 =	vld [tilespmem:s15+$0xFFFFFF70];
	_ =	sdelay $0x4  }
0x186: {  	v2 =	vand.u32 $0xFFFF, v1;
	v1 =	vshrl.u32 v1, $0x10  }
0x187: {  	[tilespmem:$0x2B00] =	vst v2  }
0x188: {  	[tilespmem:$0x2B80] =	vst v1  }
0x189: {  	v1 =	vld [tilespmem:s15+$0xFFFFFF80];
	_ =	sdelay $0x4  }
0x18a: {  	v2 =	vand.u32 $0xFFFF, v1;
	v1 =	vshrl.u32 v1, $0x10  }
0x18b: {  	[tilespmem:$0x2B10] =	vst v2  }
0x18c: {  	[tilespmem:$0x2B90] =	vst v1  }
0x18d: {  	[tilespmem:s4], [sflag:$0x4] =	stream.indirect.gather [hbm4b:s0+s2], $0x80, s29, s2, $0xb8;
	[tilespmem:$0x1EC00] =	vst v63  }
0x18e: {  	_ =	swait.ge [sflag:s30], $0x1000  }
0x18f: {  	[sflag:s30] =	ssyncset.done $0x0  }
0x190: {  	s13 =	simm.s32 $0x2C80;
	[sflag:s30] =	ssyncadd.s32 $0xFFFFF000  }
0x191: {  	[spmem:s3] =	stream.indirect.scatter.add.f32 [tilespmem:s16], [sflag:$0x9], $0x80, s13, s2, $0xb8;
	[tilespmem:$0x1EC00] =	vst v63  }
0x192: {  	_ =	swait.ge [sflag:s1], $0x1000  }
0x193: {  	[sflag:s1] =	ssyncset.done $0x0  }
0x194: {  	[sflag:s1] =	ssyncadd.s32 $0xFFFFF000  }
0x195: {  	v1 =	vld [tilespmem:s15+$0xFFFFFF90];
	_ =	sdelay $0x4  }
0x196: {  	v2 =	vand.u32 $0xFFFF, v1;
	v1 =	vshrl.u32 v1, $0x10  }
0x197: {  	[tilespmem:$0x2C00] =	vst v2  }
0x198: {  	[tilespmem:$0x2C80] =	vst v1  }
0x199: {  	v1 =	vld [tilespmem:s15+$0xFFFFFFA0];
	_ =	sdelay $0x4  }
0x19a: {  	v2 =	vand.u32 $0xFFFF, v1;
	v1 =	vshrl.u32 v1, $0x10  }
0x19b: {  	[tilespmem:$0x2C10] =	vst v2  }
0x19c: {  	[tilespmem:$0x2C90] =	vst v1  }
0x19d: {  	[tilespmem:s16], [sflag:$0x5] =	stream.indirect.gather [hbm4b:s0+s2], $0x80, s31, s2, $0xb8;
	[tilespmem:$0x1EC00] =	vst v63  }
0x19e: {  	_ =	swait.ge [sflag:s5], $0x1000  }
0x19f: {  	[sflag:s5] =	ssyncset.done $0x0  }
0x1a0: {  	s13 =	simm.s32 $0x2D80;
	[sflag:s5] =	ssyncadd.s32 $0xFFFFF000  }
0x1a1: {  	[spmem:s3] =	stream.indirect.scatter.add.f32 [tilespmem:s18], [sflag:$0x9], $0x80, s13, s2, $0xb8;
	[tilespmem:$0x1EC00] =	vst v63  }
0x1a2: {  	_ =	swait.ge [sflag:s1], $0x1000  }
0x1a3: {  	[sflag:s1] =	ssyncset.done $0x0  }
0x1a4: {  	[sflag:s1] =	ssyncadd.s32 $0xFFFFF000  }
0x1a5: {  	v1 =	vld [tilespmem:s15+$0xFFFFFFB0];
	_ =	sdelay $0x4  }
0x1a6: {  	v2 =	vand.u32 $0xFFFF, v1;
	v1 =	vshrl.u32 v1, $0x10  }
0x1a7: {  	[tilespmem:$0x2D00] =	vst v2  }
0x1a8: {  	[tilespmem:$0x2D80] =	vst v1  }
0x1a9: {  	v1 =	vld [tilespmem:s15+$0xFFFFFFC0];
	_ =	sdelay $0x4  }
0x1aa: {  	v2 =	vand.u32 $0xFFFF, v1;
	v1 =	vshrl.u32 v1, $0x10  }
0x1ab: {  	[tilespmem:$0x2D10] =	vst v2  }
0x1ac: {  	[tilespmem:$0x2D90] =	vst v1  }
0x1ad: {  	[tilespmem:s18], [sflag:$0x6] =	stream.indirect.gather [hbm4b:s0+s2], $0x80, s6, s2, $0xb8;
	[tilespmem:$0x1EC00] =	vst v63  }
0x1ae: {  	_ =	swait.ge [sflag:s7], $0x1000  }
0x1af: {  	[sflag:s7] =	ssyncset.done $0x0  }
0x1b0: {  	s13 =	simm.s32 $0x2E80;
	[sflag:s7] =	ssyncadd.s32 $0xFFFFF000  }
0x1b1: {  	[spmem:s3] =	stream.indirect.scatter.add.f32 [tilespmem:s20], [sflag:$0x9], $0x80, s13, s2, $0xb8;
	[tilespmem:$0x1EC00] =	vst v63  }
0x1b2: {  	_ =	swait.ge [sflag:s1], $0x1000  }
0x1b3: {  	[sflag:s1] =	ssyncset.done $0x0  }
0x1b4: {  	[sflag:s1] =	ssyncadd.s32 $0xFFFFF000  }
0x1b5: {  	v1 =	vld [tilespmem:s15+$0xFFFFFFD0];
	_ =	sdelay $0x4  }
0x1b6: {  	v2 =	vand.u32 $0xFFFF, v1;
	v1 =	vshrl.u32 v1, $0x10  }
0x1b7: {  	[tilespmem:$0x2E00] =	vst v2  }
0x1b8: {  	[tilespmem:$0x2E80] =	vst v1  }
0x1b9: {  	v1 =	vld [tilespmem:s15+$0xFFFFFFE0];
	_ =	sdelay $0x4  }
0x1ba: {  	v2 =	vand.u32 $0xFFFF, v1;
	v1 =	vshrl.u32 v1, $0x10  }
0x1bb: {  	[tilespmem:$0x2E10] =	vst v2  }
0x1bc: {  	[tilespmem:$0x2E90] =	vst v1  }
0x1bd: {  	[tilespmem:s20], [sflag:$0x7] =	stream.indirect.gather [hbm4b:s0+s2], $0x80, s9, s2, $0xb8;
	[tilespmem:$0x1EC00] =	vst v63  }
0x1be: {  	_ =	swait.ge [sflag:s11], $0x1000  }
0x1bf: {  	[sflag:s11] =	ssyncset.done $0x0  }
.Ltmp1:
0x1c0: {  	s13 =	simm.s32 $0x2F80;
	[sflag:s11] =	ssyncadd.s32 $0xFFFFF000;
	(pc) =	sbr.rel @p1 .LBB2_4-.Ltmp1, $4  }
0x1c1: {  	[spmem:s3] =	stream.indirect.scatter.add.f32 [tilespmem:s8], [sflag:$0x9], $0x80, s13, s2, $0xb8;
	[tilespmem:$0x1EC00] =	vst v63  }
0x1c2: {  	_ =	swait.ge [sflag:s1], $0x1000  }
0x1c3: {  	[sflag:s1] =	ssyncset.done $0x0  }
0x1c4: {  	[sflag:s1] =	ssyncadd.s32 $0xFFFFF000  }
0x1c5: {  	v1 =	vld [tilespmem:s15+$0xFFFFFFF0];
	_ =	sdelay $0x4  }
0x1c6: {  	v2 =	vand.u32 $0xFFFF, v1  }
0x1c7: {  	v1 =	vshrl.u32 v1, $0x10;
	[tilespmem:$0x2F00] =	vst v2  }
0x1c8: {  	[tilespmem:$0x2F80] =	vst v1  }
0x1c9: {  	v1 =	vld [tilespmem:s15+$0x0];
	_ =	sdelay $0x4  }
0x1ca: {  	v2 =	vand.u32 $0xFFFF, v1  }
0x1cb: {  	v1 =	vshrl.u32 v1, $0x10;
	[tilespmem:$0x2F10] =	vst v2  }
0x1cc: {  	s6 =	simm.s32 $0x2F00;
	[tilespmem:$0x2F90] =	vst v1  }
0x1cd: {  	[tilespmem:s8], [sflag:$0x8] =	stream.indirect.gather [hbm4b:s0+s2], $0x80, s6, s2, $0xb8;
	[tilespmem:$0x1EC00] =	vst v63  }
0x1ce: {  	_ =	swait.ge [sflag:s21], $0x1000  }
0x1cf: {  	[sflag:s21] =	ssyncset.done $0x0  }
0x1d0: {  	s9 =	simm.s32 $0x2880;
	[sflag:s21] =	ssyncadd.s32 $0xFFFFF000  }
0x1d1: {  	[spmem:s3] =	stream.indirect.scatter.add.f32 [tilespmem:s14], [sflag:$0x9], $0x80, s9, s2, $0xb8;
	[tilespmem:$0x1EC00] =	vst v63  }
0x1d2: {  	_ =	swait.ge [sflag:s1], $0x1000  }
0x1d3: {  	[sflag:s1] =	ssyncset.done $0x0  }
0x1d4: {  	[sflag:s1] =	ssyncadd.s32 $0xFFFFF000  }
0x1d5: {  	_ =	swait.ge [sflag:s23], $0x1000  }
0x1d6: {  	[sflag:s23] =	ssyncset.done $0x0  }
0x1d7: {  	[sflag:s23] =	ssyncadd.s32 $0xFFFFF000  }
0x1d8: {  	[spmem:s3] =	stream.indirect.scatter.add.f32 [tilespmem:s10], [sflag:$0x9], $0x80, s19, s2, $0xb8;
	[tilespmem:$0x1EC00] =	vst v63  }
0x1d9: {  	_ =	swait.ge [sflag:s1], $0x1000  }
0x1da: {  	[sflag:s1] =	ssyncset.done $0x0  }
0x1db: {  	[sflag:s1] =	ssyncadd.s32 $0xFFFFF000  }
0x1dc: {  	_ =	swait.ge [sflag:s25], $0x1000  }
0x1dd: {  	[sflag:s25] =	ssyncset.done $0x0  }
0x1de: {  	s13 =	simm.s32 $0x2A80;
	[sflag:s25] =	ssyncadd.s32 $0xFFFFF000  }
0x1df: {  	[spmem:s3] =	stream.indirect.scatter.add.f32 [tilespmem:s12], [sflag:$0x9], $0x80, s13, s2, $0xb8;
	[tilespmem:$0x1EC00] =	vst v63  }
0x1e0: {  	_ =	swait.ge [sflag:s1], $0x1000  }
0x1e1: {  	[sflag:s1] =	ssyncset.done $0x0  }
0x1e2: {  	[sflag:s1] =	ssyncadd.s32 $0xFFFFF000  }
0x1e3: {  	_ =	swait.ge [sflag:s28], $0x1000  }
0x1e4: {  	[sflag:s28] =	ssyncset.done $0x0  }
0x1e5: {  	s14 =	simm.s32 $0x2B80;
	[sflag:s28] =	ssyncadd.s32 $0xFFFFF000  }
0x1e6: {  	[spmem:s3] =	stream.indirect.scatter.add.f32 [tilespmem:s4], [sflag:$0x9], $0x80, s14, s2, $0xb8;
	[tilespmem:$0x1EC00] =	vst v63  }
0x1e7: {  	_ =	swait.ge [sflag:s1], $0x1000  }
0x1e8: {  	[sflag:s1] =	ssyncset.done $0x0  }
0x1e9: {  	[sflag:s1] =	ssyncadd.s32 $0xFFFFF000  }
0x1ea: {  	_ =	swait.ge [sflag:s30], $0x1000  }
0x1eb: {  	[sflag:s30] =	ssyncset.done $0x0  }
0x1ec: {  	s15 =	simm.s32 $0x2C80;
	[sflag:s30] =	ssyncadd.s32 $0xFFFFF000  }
0x1ed: {  	[spmem:s3] =	stream.indirect.scatter.add.f32 [tilespmem:s16], [sflag:$0x9], $0x80, s15, s2, $0xb8;
	[tilespmem:$0x1EC00] =	vst v63  }
0x1ee: {  	_ =	swait.ge [sflag:s1], $0x1000  }
0x1ef: {  	[sflag:s1] =	ssyncset.done $0x0  }
0x1f0: {  	[sflag:s1] =	ssyncadd.s32 $0xFFFFF000  }
0x1f1: {  	_ =	swait.ge [sflag:s5], $0x1000  }
0x1f2: {  	[sflag:s5] =	ssyncset.done $0x0  }
0x1f3: {  	s17 =	simm.s32 $0x2D80;
	[sflag:s5] =	ssyncadd.s32 $0xFFFFF000  }
0x1f4: {  	[spmem:s3] =	stream.indirect.scatter.add.f32 [tilespmem:s18], [sflag:$0x9], $0x80, s17, s2, $0xb8;
	[tilespmem:$0x1EC00] =	vst v63  }
0x1f5: {  	_ =	swait.ge [sflag:s1], $0x1000  }
0x1f6: {  	[sflag:s1] =	ssyncset.done $0x0  }
0x1f7: {  	[sflag:s1] =	ssyncadd.s32 $0xFFFFF000  }
0x1f8: {  	_ =	swait.ge [sflag:s7], $0x1000  }
0x1f9: {  	[sflag:s7] =	ssyncset.done $0x0  }
0x1fa: {  	s18 =	simm.s32 $0x2E80;
	[sflag:s7] =	ssyncadd.s32 $0xFFFFF000  }
0x1fb: {  	[spmem:s3] =	stream.indirect.scatter.add.f32 [tilespmem:s20], [sflag:$0x9], $0x80, s18, s2, $0xb8;
	[tilespmem:$0x1EC00] =	vst v63  }
0x1fc: {  	_ =	swait.ge [sflag:s1], $0x1000  }
0x1fd: {  	[sflag:s1] =	ssyncset.done $0x0  }
0x1fe: {  	[sflag:s1] =	ssyncadd.s32 $0xFFFFF000  }
0x1ff: {  	_ =	swait.ge [sflag:s11], $0x1000  }
0x200: {  	[sflag:s11] =	ssyncset.done $0x0  }
0x201: {  	s19 =	simm.s32 $0x2F80;
	[sflag:s11] =	ssyncadd.s32 $0xFFFFF000  }
0x202: {  	[spmem:s3] =	stream.indirect.scatter.add.f32 [tilespmem:s8], [sflag:$0x9], $0x80, s19, s2, $0xb8;
	[tilespmem:$0x1EC00] =	vst v63  }
0x203: {  	_ =	swait.ge [sflag:s1], $0x1000  }
0x204: {  	[sflag:s1] =	ssyncset.done $0x0  }
0x205: {  	[sflag:s1] =	ssyncadd.s32 $0xFFFFF000  }
0x206: {  	s20 =	stileid.u32;
	[bflag:$0x0] =	sbarrier.arrive $0xFFFF  }
0x207: {  	s15 =	sshll.u32 s20, $0x6;
	s17 =	rddreg [dreg:$0x14]  }
0x208: {  	s15 =	sor.u32 $0x1C09, s15;
	s22 =	rddreg [dreg:$0x17]  }
0x209: {  	[hbm:s17], [sflag:s15] =	dma.local [spmem:s22], $0x2700  }
0x20a: {  	_ =	swait.ge [sflag:s1], $0x2700  }
0x20b: {  	[sflag:s1] =	ssyncset.done $0x0;
	s17 =	rddreg [dreg:$0x15]  }
0x20c: {  	s19 =	rddreg [dreg:$0x18];
	[sflag:s1] =	ssyncadd.s32 $0xFFFFD900  }
0x20d: {  	[hbm:s17], [sflag:s15] =	dma.local @!p0 [spmem:s19], $0x100  }
0x20e: {  	s15 =	simm.s32 @!p0 $0x9  }
0x20f: {  	s29 =	simm.s32 $0x2C00;
	_ =	swait.ge @!p0 [sflag:s15], $0x100  }
0x210: {  	s31 =	simm.s32 $0x2E00;
	s6 =	simm.s32 $0x2D00;
	s24 =	rddreg [dreg:$0x1e]  }
0x211: {  	s9 =	simm.s32 $0x2F00;
	s26 =	rddreg [dreg:$0x16];
	s4 =	sadd.s32 $0x1, s24  }
0x212: {  	s10 =	simm.s32 $0x4000;
	s12 =	simm.s32 $0x5000;
	p1 =	sne.s32 s4, s26  }
.Ltmp2:
0x213: {  	s13 =	simm.s32 $0x3000;
	s14 =	simm.s32 $0x7000;
	(pc) =	sbr.rel @p1 .LBB2_1-.Ltmp2, $4  }
0x214: {  	s16 =	simm.s32 $0x8000;
	s18 =	simm.s32 $0x9000;
	s20 =	simm.s32 $0xA000  }
0x215: {  	s8 =	simm.s32 $0x2880;
	s22 =	simm.s32 $0x2900;
	[sflag:s15] =	ssyncset.done @!p0 $0x0  }
0x216: {  	s19 =	simm.s32 $0x2800;
	[sflag:s15] =	ssyncadd.s32 @!p0 $0xFFFFFF00;
	s24 =	simm.s32 $0x2A00  }
0x217: {  	[dreg:$0x1e] =	wrdreg s4;
	s26 =	simm.s32 $0x2B00;
	s4 =	simm.s32 $0x6000  }
0x218: {  	_ =	sfence.sel $0x180000  }
0x219: {  	[bflag:$0x0] =	sbarrier.arrive $0xFFFF  }
0x21a: {  	_ =	strace $0x90000047  }
0x21b: {  	[bflag:$0x2] =	sbarrier.arrive $0xFFFF  }
0x21c: {  	s0 =	rddreg [dreg:$0x3]  }
0x21d: {  	s0 =	sadd.s32 @!p0 $0x100000, s0  }
0x21e: {  	[sflag:s0] =	ssyncadd.tile.s32 @!p0 $0x1;
	_ =	shalt  }
.Lfunc_end2:
_tile_overlayer_lowered:
.L_overlay_start_2:
0x21f: {  	(tag) =	ssettag $0x2  }
0x220: {  	s0 =	rddreg [dreg:$0x0];
	s2 =	stileid.u32  }
0x221: {  	s1 =	rddreg [dreg:$0x1];
	p0 =	sne.s32 s2, $0x0  }
0x222: {  	s3 =	rddreg [dreg:$0x2];
	[bflag:$0x3] =	sbarrier.arrive $0xFFFF;
	s2 =	simm.s32 @!p0 $0x1C09  }
0x223: {  	[timem:s3], [sflag:s2] =	dma.local @!p0 [hbm:s0], s1  }
0x224: {  	s0 =	simm.s32 @!p0 $0x9  }
0x225: {  	_ =	swait.ge @!p0 [sflag:s0], s1  }
0x226: {  	s1 =	ssub.s32 @!p0 $0x0, s1;
	[sflag:s0] =	ssyncset.done @!p0 $0x0  }
0x227: {  	[sflag:s0] =	ssyncadd.s32 @!p0 s1  }
0x228: {  	[bflag:$0x3] =	sbarrier.arrive $0xFFFF  }
0x229: {  	_ =	shalt  }

</sc_bundles>
